<compile_context>
chip_gen: v7x
topology: tpu7x:2x2x1
jax: 0.10.2.dev20260603
libtpu: 0.0.44.dev20260713+nightly
codegen_flags: <defaults>
</compile_context>

<pallas_src>
import jax
import jax.numpy as jnp
from jax import lax
from jax.experimental import pallas as pl
from jax.experimental.pallas import tpu as pltpu
from jax.experimental.pallas import tpu_sc as plsc

VOCAB = 100000
DIM = 128
BATCH = 16384
CTX = 20
NEG = 50
NOUT = NEG + 1
NOUTP = NOUT + 1

NC = 2
NS = 16
NW = NC * NS
B_PER_W = BATCH // NW
NB = 8
CHUNKS = B_PER_W // NB
LANES = 16
DREGS = DIM // LANES

CTX_IDX_ROW = 80
WO_IDX_ROW = 102
WO_ROWS = NB * NOUT

PART = BATCH * NOUTP * LANES
TC_ROWS = PART // DIM
TC_BLOCK = 8192
TC_GRID = TC_ROWS // TC_BLOCK


def _sc_scores(ctx_idx_hbm, wo_idx_hbm, w_in_hbm, w_out_hbm,
               part_out_hbm,
               ctx_i_v, wo_i_v, ctx_r_v, wo_r_v, part_v, sem):
    wid = lax.axis_index("s") * NC + lax.axis_index("c")

    def chunk_body(chunk, carry):
        g = wid * CHUNKS + chunk
        base = g * NB

        pltpu.sync_copy(ctx_idx_hbm.at[pl.ds(g * 2, 2)], ctx_i_v)
        pltpu.sync_copy(wo_idx_hbm.at[pl.ds(g * 4, 4)], wo_i_v)

        cps = []
        for j in range(2):
            cps.append(pltpu.async_copy(
                w_in_hbm.at[ctx_i_v.at[j]],
                ctx_r_v.at[pl.ds(j * CTX_IDX_ROW, CTX_IDX_ROW)], sem))
        for j in range(4):
            cps.append(pltpu.async_copy(
                w_out_hbm.at[wo_i_v.at[j]],
                wo_r_v.at[pl.ds(j * WO_IDX_ROW, WO_IDX_ROW)], sem))
        for cp in cps:
            cp.wait()

        @plsc.parallel_loop(0, NB)
        def b_body(b):
            r0 = b * CTX
            h0 = tuple(ctx_r_v[r0, pl.ds(j * LANES, LANES)]
                       for j in range(DREGS))

            def c_body(c, h):
                return tuple(h[j] + ctx_r_v[r0 + c, pl.ds(j * LANES, LANES)]
                             for j in range(DREGS))

            h = lax.fori_loop(1, CTX, c_body, h0, unroll=5)
            h = tuple(hj * (1.0 / CTX) for hj in h)

            nr0 = b * NOUT
            o0 = b * NOUTP * LANES

            @plsc.parallel_loop(0, NOUTP, unroll=4)
            def k_body(k):
                row = jnp.minimum(nr0 + k, WO_ROWS - 1)
                p = [wo_r_v[row, pl.ds(j * LANES, LANES)] * h[j]
                     for j in range(DREGS)]
                acc = ((p[0] + p[1]) + (p[2] + p[3])) + \
                      ((p[4] + p[5]) + (p[6] + p[7]))
                part_v[pl.ds(o0 + k * LANES, LANES)] = acc

        pltpu.sync_copy(
            part_v,
            part_out_hbm.at[pl.ds(base * NOUTP * LANES, NB * NOUTP * LANES)])
        return carry

    lax.fori_loop(0, CHUNKS, chunk_body, 0)


_sc_call = pl.kernel(
    _sc_scores,
    out_type=jax.ShapeDtypeStruct((PART,), jnp.float32),
    mesh=plsc.VectorSubcoreMesh(core_axis_name="c", subcore_axis_name="s"),
    scratch_types=[
        pltpu.VMEM((2, CTX_IDX_ROW), jnp.int32),
        pltpu.VMEM((4, WO_IDX_ROW), jnp.int32),
        pltpu.VMEM((NB * CTX, DIM), jnp.float32),
        pltpu.VMEM((WO_ROWS, DIM), jnp.float32),
        pltpu.VMEM((NB * NOUTP * LANES,), jnp.float32),
        pltpu.SemaphoreType.DMA,
    ],
    compiler_params=pltpu.CompilerParams(needs_layout_passes=False),
)


def _softplus(x):
    return jnp.maximum(x, 0.0) + jnp.log1p(jnp.exp(-jnp.abs(x)))


def _loss_body(part_ref, out_ref):
    pid = pl.program_id(0)
    x = part_ref[...]
    gi = lax.broadcasted_iota(jnp.int32, (DIM, DIM // LANES), 0) // LANES
    gj = lax.broadcasted_iota(jnp.int32, (DIM, DIM // LANES), 1)
    fold = (gi == gj).astype(jnp.float32)
    s = jax.lax.dot(x, fold, precision=jax.lax.Precision.HIGHEST)
    r = lax.broadcasted_iota(jnp.int32, s.shape, 0) + pid * TC_BLOCK
    c = lax.broadcasted_iota(jnp.int32, s.shape, 1)
    k = (r * (DIM // LANES) + c) % NOUTP
    val = jnp.where(k < NEG, _softplus(s),
                    jnp.where(k == NEG, _softplus(-s), 0.0))

    @pl.when(pid == 0)
    def _():
        out_ref[0, 0] = 0.0

    out_ref[0, 0] += jnp.sum(val) * (1.0 / BATCH)


_loss_call = pl.pallas_call(
    _loss_body,
    grid=(TC_GRID,),
    in_specs=[pl.BlockSpec((TC_BLOCK, DIM), lambda i: (i, 0))],
    out_shape=jax.ShapeDtypeStruct((1, 1), jnp.float32),
    out_specs=pl.BlockSpec(memory_space=pltpu.SMEM),
)


def kernel(context_words, target_words, negative_words, W_in, W_out):
    ctx = context_words.astype(jnp.int32).reshape(
        BATCH * CTX // CTX_IDX_ROW, CTX_IDX_ROW)
    wo = jnp.concatenate(
        [negative_words.astype(jnp.int32),
         target_words.astype(jnp.int32)[:, None]], axis=1).reshape(
        BATCH * NOUT // WO_IDX_ROW, WO_IDX_ROW)
    part = _sc_call(ctx, wo, W_in, W_out)
    loss = _loss_call(part.reshape(TC_ROWS, DIM))
    return loss[0, 0]

# --- scband reference (transcript-rebuilt; emitter-appended) ---
"""Pipeline reference for scband-word2-vec-cbow-2576980377740 (READ-ONLY COPY).

The authoritative reference and input builder live on the scoring server;
editing this copy changes nothing except your own understanding.
"""

import jax, jax.numpy as jnp
import numpy as np

VOCAB = 100000
DIM = 128
BATCH = 16384
CTX = 20
NEG = 50

def _xavier_uniform(key, shape):
    fan_in, fan_out = shape[0], shape[1]
    bound = float(np.sqrt(6.0 / (fan_in + fan_out)))
    return jax.random.uniform(key, shape, dtype=jnp.float32, minval=-bound, maxval=bound)

def setup_inputs(seed: int = 0) -> dict:
    key = jax.random.key(seed)
    k1, k2, k3, k4, k5 = jax.random.split(key, 5)
    context_words = jax.random.randint(k1, (BATCH, CTX), 0, VOCAB, dtype=jnp.int64 if jax.config.jax_enable_x64 else jnp.int32)
    target_words = jax.random.randint(k2, (BATCH,), 0, VOCAB, dtype=jnp.int64 if jax.config.jax_enable_x64 else jnp.int32)
    negative_words = jax.random.randint(k3, (BATCH, NEG), 0, VOCAB, dtype=jnp.int64 if jax.config.jax_enable_x64 else jnp.int32)
    W_in = _xavier_uniform(k4, (VOCAB, DIM))
    W_out = _xavier_uniform(k5, (VOCAB, DIM))
    return {"context_words": context_words, "target_words": target_words, "negative_words": negative_words, "W_in": W_in, "W_out": W_out}

def reference(context_words, target_words, negative_words, W_in, W_out):
    # h = mean of context input embeddings
    context_vecs = jnp.take(W_in, context_words, axis=0)        # [B, C, D]
    h = context_vecs.mean(axis=1)                               # [B, D]
    # positive score
    u_target = jnp.take(W_out, target_words, axis=0)            # [B, D]
    pos_score = jnp.sum(u_target * h, axis=1)                   # [B]
    pos_loss = -jax.nn.log_sigmoid(pos_score)                   # [B]
    # negative scores via batched dot products (bmm)
    u_neg = jnp.take(W_out, negative_words, axis=0)             # [B, K, D]
    neg_score = jnp.einsum('bkd,bd->bk', u_neg, h)              # [B, K]
    neg_loss = -jax.nn.log_sigmoid(-neg_score)
    neg_loss = neg_loss.sum(axis=1)                             # [B]
    loss = (pos_loss + neg_loss).mean()
    return loss

if __name__ == "__main__":
    import jax
    _d = setup_inputs()
    print(jax.jit(kernel)(*tuple(_d.values())))

</pallas_src>

<mosaic_0001>
#map = affine_map<(d0, d1) -> (0, 0)>
#map1 = affine_map<(d0, d1) -> (0)>
module attributes {stable_mosaic.version = 14 : i64} {
  func.func @_sc_scores(%arg0: i32, %arg1: i32, %arg2: memref<4096x80xi32, #tpu.memory_space<hbm>>, %arg3: memref<8192x102xi32, #tpu.memory_space<hbm>>, %arg4: memref<100000x128xf32, #tpu.memory_space<hbm>>, %arg5: memref<100000x128xf32, #tpu.memory_space<hbm>>, %arg6: memref<13631488xf32, #tpu.memory_space<hbm>>, %arg7: memref<2x80xi32, #tpu.memory_space<vmem>>, %arg8: memref<4x102xi32, #tpu.memory_space<vmem>>, %arg9: memref<160x128xf32, #tpu.memory_space<vmem>>, %arg10: memref<408x128xf32, #tpu.memory_space<vmem>>, %arg11: memref<6656xf32, #tpu.memory_space<vmem>>, %arg12: memref<!tpu.dma_semaphore, #tpu.memory_space<semaphore_mem>>) attributes {dimension_semantics = [#tpu.dimension_semantics<core_parallel>, #tpu.dimension_semantics<subcore_parallel>], iteration_bounds = array<i64: 2, 16>, scalar_prefetch = 0 : i64, scratch_operands = 6 : i64, tpu.core_type = #tpu.core_type<sc_vector_subcore>, window_params = [{transform_indices = #map}, {transform_indices = #map}, {transform_indices = #map}, {transform_indices = #map}, {transform_indices = #map1}]} {
    %mul3A = arith.constant 2 : i32
    %mul3A_0 = arith.muli %arg1, %mul3A : i32
    %add3A = arith.addi %mul3A_0, %arg0 : i32
    %scan3A = arith.constant 0 : i32
    %scan3A_1 = arith.constant 0 : i32
    %scan3A_2 = arith.constant 64 : i32
    %scan3A_3 = arith.addi %scan3A_1, %scan3A_2 : i32
    %scan3A_4 = arith.constant 1 : i32
    scf.for %scan3A_6 = %scan3A_1 to %scan3A_3 step %scan3A_4  : i32 {
      %mul3A_7 = arith.constant 64 : i32
      %mul3A_8 = arith.muli %add3A, %mul3A_7 : i32
      %add3A_9 = arith.addi %mul3A_8, %scan3A_6 : i32
      %mul3A_10 = arith.constant 8 : i32
      %mul3A_11 = arith.muli %add3A_9, %mul3A_10 : i32
      %mul3A_12 = arith.constant 2 : i32
      %mul3A_13 = arith.muli %add3A_9, %mul3A_12 : i32
      "tpu.region"() ({
        %run_scoped3A = tpu.sem_alloc : memref<!tpu.dma_semaphore, #tpu.memory_space<semaphore_mem>>
        %dma_start3A_140 = arith.constant 0 : i32
        %dma_start3A_141 = tpu.memref_slice %arg2[%mul3A_13, %dma_start3A_140] : memref<4096x80xi32, #tpu.memory_space<hbm>> -> memref<2x80xi32, #tpu.memory_space<hbm>>
        %dma_start3A_142 = arith.constant 0 : i32
        %dma_start3A_143 = tpu.memref_slice %arg2[%mul3A_13, %dma_start3A_142] : memref<4096x80xi32, #tpu.memory_space<hbm>> -> memref<2x80xi32, #tpu.memory_space<hbm>>
        tpu.enqueue_dma source(%dma_start3A_143 : memref<2x80xi32, #tpu.memory_space<hbm>>) target(%arg7 : memref<2x80xi32, #tpu.memory_space<vmem>>) target_semaphore(%run_scoped3A : memref<!tpu.dma_semaphore, #tpu.memory_space<semaphore_mem>>)
        %dma_wait3A_144 = arith.constant 0 : i32
        %dma_wait3A_145 = tpu.memref_slice %arg2[%mul3A_13, %dma_wait3A_144] : memref<4096x80xi32, #tpu.memory_space<hbm>> -> memref<2x80xi32, #tpu.memory_space<hbm>>
        %dma_wait3A_146 = arith.constant 0 : i32
        %dma_wait3A_147 = tpu.memref_slice %arg2[%mul3A_13, %dma_wait3A_146] : memref<4096x80xi32, #tpu.memory_space<hbm>> -> memref<2x80xi32, #tpu.memory_space<hbm>>
        tpu.wait_dma2 semaphore(%run_scoped3A : memref<!tpu.dma_semaphore, #tpu.memory_space<semaphore_mem>>) src(%dma_wait3A_147 : memref<2x80xi32, #tpu.memory_space<hbm>>) dst(%arg7 : memref<2x80xi32, #tpu.memory_space<vmem>>)
        tpu.yield
      }) : () -> ()
      %mul3A_14 = arith.constant 4 : i32
      %mul3A_15 = arith.muli %add3A_9, %mul3A_14 : i32
      "tpu.region"() ({
        %run_scoped3A = tpu.sem_alloc : memref<!tpu.dma_semaphore, #tpu.memory_space<semaphore_mem>>
        %dma_start3A_140 = arith.constant 0 : i32
        %dma_start3A_141 = tpu.memref_slice %arg3[%mul3A_15, %dma_start3A_140] : memref<8192x102xi32, #tpu.memory_space<hbm>> -> memref<4x102xi32, #tpu.memory_space<hbm>>
        %dma_start3A_142 = arith.constant 0 : i32
        %dma_start3A_143 = tpu.memref_slice %arg3[%mul3A_15, %dma_start3A_142] : memref<8192x102xi32, #tpu.memory_space<hbm>> -> memref<4x102xi32, #tpu.memory_space<hbm>>
        tpu.enqueue_dma source(%dma_start3A_143 : memref<4x102xi32, #tpu.memory_space<hbm>>) target(%arg8 : memref<4x102xi32, #tpu.memory_space<vmem>>) target_semaphore(%run_scoped3A : memref<!tpu.dma_semaphore, #tpu.memory_space<semaphore_mem>>)
        %dma_wait3A_144 = arith.constant 0 : i32
        %dma_wait3A_145 = tpu.memref_slice %arg3[%mul3A_15, %dma_wait3A_144] : memref<8192x102xi32, #tpu.memory_space<hbm>> -> memref<4x102xi32, #tpu.memory_space<hbm>>
        %dma_wait3A_146 = arith.constant 0 : i32
        %dma_wait3A_147 = tpu.memref_slice %arg3[%mul3A_15, %dma_wait3A_146] : memref<8192x102xi32, #tpu.memory_space<hbm>> -> memref<4x102xi32, #tpu.memory_space<hbm>>
        tpu.wait_dma2 semaphore(%run_scoped3A : memref<!tpu.dma_semaphore, #tpu.memory_space<semaphore_mem>>) src(%dma_wait3A_147 : memref<4x102xi32, #tpu.memory_space<hbm>>) dst(%arg8 : memref<4x102xi32, #tpu.memory_space<vmem>>)
        tpu.yield
      }) : () -> ()
      %dma_start3A = arith.constant 0 : i32
      %dma_start3A_16 = arith.constant 0 : i32
      %dma_start3A_17 = arith.constant 0 : i32
      %dma_start3A_18 = tpu.memref_slice %arg9[%dma_start3A_16, %dma_start3A_17] : memref<160x128xf32, #tpu.memory_space<vmem>> -> memref<80x128xf32, #tpu.memory_space<vmem>>
      %dma_start3A_19 = arith.constant 0 : i32
      %dma_start3A_20 = tpu.memref_slice %arg7[%dma_start3A, %dma_start3A_19] : memref<2x80xi32, #tpu.memory_space<vmem>> -> memref<1x80xi32, #tpu.memory_space<vmem>>
      %dma_start3A_21 = tpu.memref_squeeze %dma_start3A_20 : memref<1x80xi32, #tpu.memory_space<vmem>> -> memref<80xi32, #tpu.memory_space<vmem>>
      %dma_start3A_22 = arith.constant 0 : i32
      %dma_start3A_23 = arith.constant 0 : i32
      %dma_start3A_24 = tpu.memref_slice %arg4[%dma_start3A_22, %dma_start3A_23] : memref<100000x128xf32, #tpu.memory_space<hbm>> -> memref<100000x128xf32, #tpu.memory_space<hbm>>
      tpu.enqueue_indirect_dma source(%dma_start3A_24 : memref<100000x128xf32, #tpu.memory_space<hbm>>) target(%dma_start3A_18 : memref<80x128xf32, #tpu.memory_space<vmem>>) offsets(%dma_start3A_21 : memref<80xi32, #tpu.memory_space<vmem>>) semaphore(%arg12 : memref<!tpu.dma_semaphore, #tpu.memory_space<semaphore_mem>>)
      %dma_start3A_25 = arith.constant 1 : i32
      %dma_start3A_26 = arith.constant 80 : i32
      %dma_start3A_27 = arith.constant 0 : i32
      %dma_start3A_28 = tpu.memref_slice %arg9[%dma_start3A_26, %dma_start3A_27] : memref<160x128xf32, #tpu.memory_space<vmem>> -> memref<80x128xf32, #tpu.memory_space<vmem>>
      %dma_start3A_29 = arith.constant 0 : i32
      %dma_start3A_30 = tpu.memref_slice %arg7[%dma_start3A_25, %dma_start3A_29] : memref<2x80xi32, #tpu.memory_space<vmem>> -> memref<1x80xi32, #tpu.memory_space<vmem>>
      %dma_start3A_31 = tpu.memref_squeeze %dma_start3A_30 : memref<1x80xi32, #tpu.memory_space<vmem>> -> memref<80xi32, #tpu.memory_space<vmem>>
      %dma_start3A_32 = arith.constant 0 : i32
      %dma_start3A_33 = arith.constant 0 : i32
      %dma_start3A_34 = tpu.memref_slice %arg4[%dma_start3A_32, %dma_start3A_33] : memref<100000x128xf32, #tpu.memory_space<hbm>> -> memref<100000x128xf32, #tpu.memory_space<hbm>>
      tpu.enqueue_indirect_dma source(%dma_start3A_34 : memref<100000x128xf32, #tpu.memory_space<hbm>>) target(%dma_start3A_28 : memref<80x128xf32, #tpu.memory_space<vmem>>) offsets(%dma_start3A_31 : memref<80xi32, #tpu.memory_space<vmem>>) semaphore(%arg12 : memref<!tpu.dma_semaphore, #tpu.memory_space<semaphore_mem>>)
      %dma_start3A_35 = arith.constant 0 : i32
      %dma_start3A_36 = arith.constant 0 : i32
      %dma_start3A_37 = arith.constant 0 : i32
      %dma_start3A_38 = tpu.memref_slice %arg10[%dma_start3A_36, %dma_start3A_37] : memref<408x128xf32, #tpu.memory_space<vmem>> -> memref<102x128xf32, #tpu.memory_space<vmem>>
      %dma_start3A_39 = arith.constant 0 : i32
      %dma_start3A_40 = tpu.memref_slice %arg8[%dma_start3A_35, %dma_start3A_39] : memref<4x102xi32, #tpu.memory_space<vmem>> -> memref<1x102xi32, #tpu.memory_space<vmem>>
      %dma_start3A_41 = tpu.memref_squeeze %dma_start3A_40 : memref<1x102xi32, #tpu.memory_space<vmem>> -> memref<102xi32, #tpu.memory_space<vmem>>
      %dma_start3A_42 = arith.constant 0 : i32
      %dma_start3A_43 = arith.constant 0 : i32
      %dma_start3A_44 = tpu.memref_slice %arg5[%dma_start3A_42, %dma_start3A_43] : memref<100000x128xf32, #tpu.memory_space<hbm>> -> memref<100000x128xf32, #tpu.memory_space<hbm>>
      tpu.enqueue_indirect_dma source(%dma_start3A_44 : memref<100000x128xf32, #tpu.memory_space<hbm>>) target(%dma_start3A_38 : memref<102x128xf32, #tpu.memory_space<vmem>>) offsets(%dma_start3A_41 : memref<102xi32, #tpu.memory_space<vmem>>) semaphore(%arg12 : memref<!tpu.dma_semaphore, #tpu.memory_space<semaphore_mem>>)
      %dma_start3A_45 = arith.constant 1 : i32
      %dma_start3A_46 = arith.constant 102 : i32
      %dma_start3A_47 = arith.constant 0 : i32
      %dma_start3A_48 = tpu.memref_slice %arg10[%dma_start3A_46, %dma_start3A_47] : memref<408x128xf32, #tpu.memory_space<vmem>> -> memref<102x128xf32, #tpu.memory_space<vmem>>
      %dma_start3A_49 = arith.constant 0 : i32
      %dma_start3A_50 = tpu.memref_slice %arg8[%dma_start3A_45, %dma_start3A_49] : memref<4x102xi32, #tpu.memory_space<vmem>> -> memref<1x102xi32, #tpu.memory_space<vmem>>
      %dma_start3A_51 = tpu.memref_squeeze %dma_start3A_50 : memref<1x102xi32, #tpu.memory_space<vmem>> -> memref<102xi32, #tpu.memory_space<vmem>>
      %dma_start3A_52 = arith.constant 0 : i32
      %dma_start3A_53 = arith.constant 0 : i32
      %dma_start3A_54 = tpu.memref_slice %arg5[%dma_start3A_52, %dma_start3A_53] : memref<100000x128xf32, #tpu.memory_space<hbm>> -> memref<100000x128xf32, #tpu.memory_space<hbm>>
      tpu.enqueue_indirect_dma source(%dma_start3A_54 : memref<100000x128xf32, #tpu.memory_space<hbm>>) target(%dma_start3A_48 : memref<102x128xf32, #tpu.memory_space<vmem>>) offsets(%dma_start3A_51 : memref<102xi32, #tpu.memory_space<vmem>>) semaphore(%arg12 : memref<!tpu.dma_semaphore, #tpu.memory_space<semaphore_mem>>)
      %dma_start3A_55 = arith.constant 2 : i32
      %dma_start3A_56 = arith.constant 204 : i32
      %dma_start3A_57 = arith.constant 0 : i32
      %dma_start3A_58 = tpu.memref_slice %arg10[%dma_start3A_56, %dma_start3A_57] : memref<408x128xf32, #tpu.memory_space<vmem>> -> memref<102x128xf32, #tpu.memory_space<vmem>>
      %dma_start3A_59 = arith.constant 0 : i32
      %dma_start3A_60 = tpu.memref_slice %arg8[%dma_start3A_55, %dma_start3A_59] : memref<4x102xi32, #tpu.memory_space<vmem>> -> memref<1x102xi32, #tpu.memory_space<vmem>>
      %dma_start3A_61 = tpu.memref_squeeze %dma_start3A_60 : memref<1x102xi32, #tpu.memory_space<vmem>> -> memref<102xi32, #tpu.memory_space<vmem>>
      %dma_start3A_62 = arith.constant 0 : i32
      %dma_start3A_63 = arith.constant 0 : i32
      %dma_start3A_64 = tpu.memref_slice %arg5[%dma_start3A_62, %dma_start3A_63] : memref<100000x128xf32, #tpu.memory_space<hbm>> -> memref<100000x128xf32, #tpu.memory_space<hbm>>
      tpu.enqueue_indirect_dma source(%dma_start3A_64 : memref<100000x128xf32, #tpu.memory_space<hbm>>) target(%dma_start3A_58 : memref<102x128xf32, #tpu.memory_space<vmem>>) offsets(%dma_start3A_61 : memref<102xi32, #tpu.memory_space<vmem>>) semaphore(%arg12 : memref<!tpu.dma_semaphore, #tpu.memory_space<semaphore_mem>>)
      %dma_start3A_65 = arith.constant 3 : i32
      %dma_start3A_66 = arith.constant 306 : i32
      %dma_start3A_67 = arith.constant 0 : i32
      %dma_start3A_68 = tpu.memref_slice %arg10[%dma_start3A_66, %dma_start3A_67] : memref<408x128xf32, #tpu.memory_space<vmem>> -> memref<102x128xf32, #tpu.memory_space<vmem>>
      %dma_start3A_69 = arith.constant 0 : i32
      %dma_start3A_70 = tpu.memref_slice %arg8[%dma_start3A_65, %dma_start3A_69] : memref<4x102xi32, #tpu.memory_space<vmem>> -> memref<1x102xi32, #tpu.memory_space<vmem>>
      %dma_start3A_71 = tpu.memref_squeeze %dma_start3A_70 : memref<1x102xi32, #tpu.memory_space<vmem>> -> memref<102xi32, #tpu.memory_space<vmem>>
      %dma_start3A_72 = arith.constant 0 : i32
      %dma_start3A_73 = arith.constant 0 : i32
      %dma_start3A_74 = tpu.memref_slice %arg5[%dma_start3A_72, %dma_start3A_73] : memref<100000x128xf32, #tpu.memory_space<hbm>> -> memref<100000x128xf32, #tpu.memory_space<hbm>>
      tpu.enqueue_indirect_dma source(%dma_start3A_74 : memref<100000x128xf32, #tpu.memory_space<hbm>>) target(%dma_start3A_68 : memref<102x128xf32, #tpu.memory_space<vmem>>) offsets(%dma_start3A_71 : memref<102xi32, #tpu.memory_space<vmem>>) semaphore(%arg12 : memref<!tpu.dma_semaphore, #tpu.memory_space<semaphore_mem>>)
      %dma_wait3A = arith.constant 0 : i32
      %dma_wait3A_75 = arith.constant 0 : i32
      %dma_wait3A_76 = arith.constant 0 : i32
      %dma_wait3A_77 = tpu.memref_slice %arg9[%dma_wait3A_75, %dma_wait3A_76] : memref<160x128xf32, #tpu.memory_space<vmem>> -> memref<80x128xf32, #tpu.memory_space<vmem>>
      %dma_wait3A_78 = arith.constant 0 : i32
      %dma_wait3A_79 = tpu.memref_slice %arg7[%dma_wait3A, %dma_wait3A_78] : memref<2x80xi32, #tpu.memory_space<vmem>> -> memref<1x80xi32, #tpu.memory_space<vmem>>
      %dma_wait3A_80 = tpu.memref_squeeze %dma_wait3A_79 : memref<1x80xi32, #tpu.memory_space<vmem>> -> memref<80xi32, #tpu.memory_space<vmem>>
      %dma_wait3A_81 = arith.constant 0 : i32
      %dma_wait3A_82 = arith.constant 0 : i32
      %dma_wait3A_83 = tpu.memref_slice %arg4[%dma_wait3A_81, %dma_wait3A_82] : memref<100000x128xf32, #tpu.memory_space<hbm>> -> memref<100000x128xf32, #tpu.memory_space<hbm>>
      tpu.wait_indirect_dma semaphore(%arg12 : memref<!tpu.dma_semaphore, #tpu.memory_space<semaphore_mem>>) src(%dma_wait3A_83 : memref<100000x128xf32, #tpu.memory_space<hbm>>) dst(%dma_wait3A_77 : memref<80x128xf32, #tpu.memory_space<vmem>>)
      %dma_wait3A_84 = arith.constant 1 : i32
      %dma_wait3A_85 = arith.constant 80 : i32
      %dma_wait3A_86 = arith.constant 0 : i32
      %dma_wait3A_87 = tpu.memref_slice %arg9[%dma_wait3A_85, %dma_wait3A_86] : memref<160x128xf32, #tpu.memory_space<vmem>> -> memref<80x128xf32, #tpu.memory_space<vmem>>
      %dma_wait3A_88 = arith.constant 0 : i32
      %dma_wait3A_89 = tpu.memref_slice %arg7[%dma_wait3A_84, %dma_wait3A_88] : memref<2x80xi32, #tpu.memory_space<vmem>> -> memref<1x80xi32, #tpu.memory_space<vmem>>
      %dma_wait3A_90 = tpu.memref_squeeze %dma_wait3A_89 : memref<1x80xi32, #tpu.memory_space<vmem>> -> memref<80xi32, #tpu.memory_space<vmem>>
      %dma_wait3A_91 = arith.constant 0 : i32
      %dma_wait3A_92 = arith.constant 0 : i32
      %dma_wait3A_93 = tpu.memref_slice %arg4[%dma_wait3A_91, %dma_wait3A_92] : memref<100000x128xf32, #tpu.memory_space<hbm>> -> memref<100000x128xf32, #tpu.memory_space<hbm>>
      tpu.wait_indirect_dma semaphore(%arg12 : memref<!tpu.dma_semaphore, #tpu.memory_space<semaphore_mem>>) src(%dma_wait3A_93 : memref<100000x128xf32, #tpu.memory_space<hbm>>) dst(%dma_wait3A_87 : memref<80x128xf32, #tpu.memory_space<vmem>>)
      %dma_wait3A_94 = arith.constant 0 : i32
      %dma_wait3A_95 = arith.constant 0 : i32
      %dma_wait3A_96 = arith.constant 0 : i32
      %dma_wait3A_97 = tpu.memref_slice %arg10[%dma_wait3A_95, %dma_wait3A_96] : memref<408x128xf32, #tpu.memory_space<vmem>> -> memref<102x128xf32, #tpu.memory_space<vmem>>
      %dma_wait3A_98 = arith.constant 0 : i32
      %dma_wait3A_99 = tpu.memref_slice %arg8[%dma_wait3A_94, %dma_wait3A_98] : memref<4x102xi32, #tpu.memory_space<vmem>> -> memref<1x102xi32, #tpu.memory_space<vmem>>
      %dma_wait3A_100 = tpu.memref_squeeze %dma_wait3A_99 : memref<1x102xi32, #tpu.memory_space<vmem>> -> memref<102xi32, #tpu.memory_space<vmem>>
      %dma_wait3A_101 = arith.constant 0 : i32
      %dma_wait3A_102 = arith.constant 0 : i32
      %dma_wait3A_103 = tpu.memref_slice %arg5[%dma_wait3A_101, %dma_wait3A_102] : memref<100000x128xf32, #tpu.memory_space<hbm>> -> memref<100000x128xf32, #tpu.memory_space<hbm>>
      tpu.wait_indirect_dma semaphore(%arg12 : memref<!tpu.dma_semaphore, #tpu.memory_space<semaphore_mem>>) src(%dma_wait3A_103 : memref<100000x128xf32, #tpu.memory_space<hbm>>) dst(%dma_wait3A_97 : memref<102x128xf32, #tpu.memory_space<vmem>>)
      %dma_wait3A_104 = arith.constant 1 : i32
      %dma_wait3A_105 = arith.constant 102 : i32
      %dma_wait3A_106 = arith.constant 0 : i32
      %dma_wait3A_107 = tpu.memref_slice %arg10[%dma_wait3A_105, %dma_wait3A_106] : memref<408x128xf32, #tpu.memory_space<vmem>> -> memref<102x128xf32, #tpu.memory_space<vmem>>
      %dma_wait3A_108 = arith.constant 0 : i32
      %dma_wait3A_109 = tpu.memref_slice %arg8[%dma_wait3A_104, %dma_wait3A_108] : memref<4x102xi32, #tpu.memory_space<vmem>> -> memref<1x102xi32, #tpu.memory_space<vmem>>
      %dma_wait3A_110 = tpu.memref_squeeze %dma_wait3A_109 : memref<1x102xi32, #tpu.memory_space<vmem>> -> memref<102xi32, #tpu.memory_space<vmem>>
      %dma_wait3A_111 = arith.constant 0 : i32
      %dma_wait3A_112 = arith.constant 0 : i32
      %dma_wait3A_113 = tpu.memref_slice %arg5[%dma_wait3A_111, %dma_wait3A_112] : memref<100000x128xf32, #tpu.memory_space<hbm>> -> memref<100000x128xf32, #tpu.memory_space<hbm>>
      tpu.wait_indirect_dma semaphore(%arg12 : memref<!tpu.dma_semaphore, #tpu.memory_space<semaphore_mem>>) src(%dma_wait3A_113 : memref<100000x128xf32, #tpu.memory_space<hbm>>) dst(%dma_wait3A_107 : memref<102x128xf32, #tpu.memory_space<vmem>>)
      %dma_wait3A_114 = arith.constant 2 : i32
      %dma_wait3A_115 = arith.constant 204 : i32
      %dma_wait3A_116 = arith.constant 0 : i32
      %dma_wait3A_117 = tpu.memref_slice %arg10[%dma_wait3A_115, %dma_wait3A_116] : memref<408x128xf32, #tpu.memory_space<vmem>> -> memref<102x128xf32, #tpu.memory_space<vmem>>
      %dma_wait3A_118 = arith.constant 0 : i32
      %dma_wait3A_119 = tpu.memref_slice %arg8[%dma_wait3A_114, %dma_wait3A_118] : memref<4x102xi32, #tpu.memory_space<vmem>> -> memref<1x102xi32, #tpu.memory_space<vmem>>
      %dma_wait3A_120 = tpu.memref_squeeze %dma_wait3A_119 : memref<1x102xi32, #tpu.memory_space<vmem>> -> memref<102xi32, #tpu.memory_space<vmem>>
      %dma_wait3A_121 = arith.constant 0 : i32
      %dma_wait3A_122 = arith.constant 0 : i32
      %dma_wait3A_123 = tpu.memref_slice %arg5[%dma_wait3A_121, %dma_wait3A_122] : memref<100000x128xf32, #tpu.memory_space<hbm>> -> memref<100000x128xf32, #tpu.memory_space<hbm>>
      tpu.wait_indirect_dma semaphore(%arg12 : memref<!tpu.dma_semaphore, #tpu.memory_space<semaphore_mem>>) src(%dma_wait3A_123 : memref<100000x128xf32, #tpu.memory_space<hbm>>) dst(%dma_wait3A_117 : memref<102x128xf32, #tpu.memory_space<vmem>>)
      %dma_wait3A_124 = arith.constant 3 : i32
      %dma_wait3A_125 = arith.constant 306 : i32
      %dma_wait3A_126 = arith.constant 0 : i32
      %dma_wait3A_127 = tpu.memref_slice %arg10[%dma_wait3A_125, %dma_wait3A_126] : memref<408x128xf32, #tpu.memory_space<vmem>> -> memref<102x128xf32, #tpu.memory_space<vmem>>
      %dma_wait3A_128 = arith.constant 0 : i32
      %dma_wait3A_129 = tpu.memref_slice %arg8[%dma_wait3A_124, %dma_wait3A_128] : memref<4x102xi32, #tpu.memory_space<vmem>> -> memref<1x102xi32, #tpu.memory_space<vmem>>
      %dma_wait3A_130 = tpu.memref_squeeze %dma_wait3A_129 : memref<1x102xi32, #tpu.memory_space<vmem>> -> memref<102xi32, #tpu.memory_space<vmem>>
      %dma_wait3A_131 = arith.constant 0 : i32
      %dma_wait3A_132 = arith.constant 0 : i32
      %dma_wait3A_133 = tpu.memref_slice %arg5[%dma_wait3A_131, %dma_wait3A_132] : memref<100000x128xf32, #tpu.memory_space<hbm>> -> memref<100000x128xf32, #tpu.memory_space<hbm>>
      tpu.wait_indirect_dma semaphore(%arg12 : memref<!tpu.dma_semaphore, #tpu.memory_space<semaphore_mem>>) src(%dma_wait3A_133 : memref<100000x128xf32, #tpu.memory_space<hbm>>) dst(%dma_wait3A_127 : memref<102x128xf32, #tpu.memory_space<vmem>>)
      %parallel_loop3A = arith.constant 0 : i32
      %parallel_loop3A_134 = arith.constant 8 : i32
      %parallel_loop3A_135 = arith.constant 1 : i32
      scf.for %parallel_loop3A_140 = %parallel_loop3A to %parallel_loop3A_134 step %parallel_loop3A_135  : i32 {
        %parallel_loop3A_141 = arith.constant 20 : i32
        %parallel_loop3A_142 = arith.muli %parallel_loop3A_140, %parallel_loop3A_141 : i32
        %parallel_loop3A_143 = arith.index_cast %parallel_loop3A_142 : i32 to index
        %parallel_loop3A_144 = arith.constant 0 : index
        %parallel_loop3A_145 = tpu.vector_load %arg9[%parallel_loop3A_143, %parallel_loop3A_144] {strides = array<i32>} : memref<160x128xf32, #tpu.memory_space<vmem>>, vector<16xf32>,
        %parallel_loop3A_146 = arith.index_cast %parallel_loop3A_142 : i32 to index
        %parallel_loop3A_147 = arith.constant 16 : index
        %parallel_loop3A_148 = tpu.vector_load %arg9[%parallel_loop3A_146, %parallel_loop3A_147] {strides = array<i32>} : memref<160x128xf32, #tpu.memory_space<vmem>>, vector<16xf32>,
        %parallel_loop3A_149 = arith.index_cast %parallel_loop3A_142 : i32 to index
        %parallel_loop3A_150 = arith.constant 32 : index
        %parallel_loop3A_151 = tpu.vector_load %arg9[%parallel_loop3A_149, %parallel_loop3A_150] {strides = array<i32>} : memref<160x128xf32, #tpu.memory_space<vmem>>, vector<16xf32>,
        %parallel_loop3A_152 = arith.index_cast %parallel_loop3A_142 : i32 to index
        %parallel_loop3A_153 = arith.constant 48 : index
        %parallel_loop3A_154 = tpu.vector_load %arg9[%parallel_loop3A_152, %parallel_loop3A_153] {strides = array<i32>} : memref<160x128xf32, #tpu.memory_space<vmem>>, vector<16xf32>,
        %parallel_loop3A_155 = arith.index_cast %parallel_loop3A_142 : i32 to index
        %parallel_loop3A_156 = arith.constant 64 : index
        %parallel_loop3A_157 = tpu.vector_load %arg9[%parallel_loop3A_155, %parallel_loop3A_156] {strides = array<i32>} : memref<160x128xf32, #tpu.memory_space<vmem>>, vector<16xf32>,
        %parallel_loop3A_158 = arith.index_cast %parallel_loop3A_142 : i32 to index
        %parallel_loop3A_159 = arith.constant 80 : index
        %parallel_loop3A_160 = tpu.vector_load %arg9[%parallel_loop3A_158, %parallel_loop3A_159] {strides = array<i32>} : memref<160x128xf32, #tpu.memory_space<vmem>>, vector<16xf32>,
        %parallel_loop3A_161 = arith.index_cast %parallel_loop3A_142 : i32 to index
        %parallel_loop3A_162 = arith.constant 96 : index
        %parallel_loop3A_163 = tpu.vector_load %arg9[%parallel_loop3A_161, %parallel_loop3A_162] {strides = array<i32>} : memref<160x128xf32, #tpu.memory_space<vmem>>, vector<16xf32>,
        %parallel_loop3A_164 = arith.index_cast %parallel_loop3A_142 : i32 to index
        %parallel_loop3A_165 = arith.constant 112 : index
        %parallel_loop3A_166 = tpu.vector_load %arg9[%parallel_loop3A_164, %parallel_loop3A_165] {strides = array<i32>} : memref<160x128xf32, #tpu.memory_space<vmem>>, vector<16xf32>,
        %parallel_loop3A_167 = arith.constant 1 : i32
        %parallel_loop3A_168 = arith.constant 15 : i32
        %parallel_loop3A_169 = arith.addi %parallel_loop3A_167, %parallel_loop3A_168 : i32
        %parallel_loop3A_170 = arith.constant 5 : i32
        %parallel_loop3A_171:8 = scf.for %scan3A_374 = %parallel_loop3A_167 to %parallel_loop3A_169 step %parallel_loop3A_170 iter_args(%scan3A_375 = %parallel_loop3A_145, %scan3A_376 = %parallel_loop3A_148, %scan3A_377 = %parallel_loop3A_151, %scan3A_378 = %parallel_loop3A_154, %scan3A_379 = %parallel_loop3A_157, %scan3A_380 = %parallel_loop3A_160, %scan3A_381 = %parallel_loop3A_163, %scan3A_382 = %parallel_loop3A_166) -> (vector<16xf32>, vector<16xf32>, vector<16xf32>, vector<16xf32>, vector<16xf32>, vector<16xf32>, vector<16xf32>, vector<16xf32>)  : i32 {
          %parallel_loop3A_383 = arith.addi %parallel_loop3A_142, %scan3A_374 : i32
          %parallel_loop3A_384 = arith.index_cast %parallel_loop3A_383 : i32 to index
          %parallel_loop3A_385 = arith.constant 0 : index
          %parallel_loop3A_386 = tpu.vector_load %arg9[%parallel_loop3A_384, %parallel_loop3A_385] {strides = array<i32>} : memref<160x128xf32, #tpu.memory_space<vmem>>, vector<16xf32>,
          %parallel_loop3A_387 = arith.addf %scan3A_375, %parallel_loop3A_386 : vector<16xf32>
          %parallel_loop3A_388 = arith.addi %parallel_loop3A_142, %scan3A_374 : i32
          %parallel_loop3A_389 = arith.index_cast %parallel_loop3A_388 : i32 to index
          %parallel_loop3A_390 = arith.constant 16 : index
          %parallel_loop3A_391 = tpu.vector_load %arg9[%parallel_loop3A_389, %parallel_loop3A_390] {strides = array<i32>} : memref<160x128xf32, #tpu.memory_space<vmem>>, vector<16xf32>,
          %parallel_loop3A_392 = arith.addf %scan3A_376, %parallel_loop3A_391 : vector<16xf32>
          %parallel_loop3A_393 = arith.addi %parallel_loop3A_142, %scan3A_374 : i32
          %parallel_loop3A_394 = arith.index_cast %parallel_loop3A_393 : i32 to index
          %parallel_loop3A_395 = arith.constant 32 : index
          %parallel_loop3A_396 = tpu.vector_load %arg9[%parallel_loop3A_394, %parallel_loop3A_395] {strides = array<i32>} : memref<160x128xf32, #tpu.memory_space<vmem>>, vector<16xf32>,
          %parallel_loop3A_397 = arith.addf %scan3A_377, %parallel_loop3A_396 : vector<16xf32>
          %parallel_loop3A_398 = arith.addi %parallel_loop3A_142, %scan3A_374 : i32
          %parallel_loop3A_399 = arith.index_cast %parallel_loop3A_398 : i32 to index
          %parallel_loop3A_400 = arith.constant 48 : index
          %parallel_loop3A_401 = tpu.vector_load %arg9[%parallel_loop3A_399, %parallel_loop3A_400] {strides = array<i32>} : memref<160x128xf32, #tpu.memory_space<vmem>>, vector<16xf32>,
          %parallel_loop3A_402 = arith.addf %scan3A_378, %parallel_loop3A_401 : vector<16xf32>
          %parallel_loop3A_403 = arith.addi %parallel_loop3A_142, %scan3A_374 : i32
          %parallel_loop3A_404 = arith.index_cast %parallel_loop3A_403 : i32 to index
          %parallel_loop3A_405 = arith.constant 64 : index
          %parallel_loop3A_406 = tpu.vector_load %arg9[%parallel_loop3A_404, %parallel_loop3A_405] {strides = array<i32>} : memref<160x128xf32, #tpu.memory_space<vmem>>, vector<16xf32>,
          %parallel_loop3A_407 = arith.addf %scan3A_379, %parallel_loop3A_406 : vector<16xf32>
          %parallel_loop3A_408 = arith.addi %parallel_loop3A_142, %scan3A_374 : i32
          %parallel_loop3A_409 = arith.index_cast %parallel_loop3A_408 : i32 to index
          %parallel_loop3A_410 = arith.constant 80 : index
          %parallel_loop3A_411 = tpu.vector_load %arg9[%parallel_loop3A_409, %parallel_loop3A_410] {strides = array<i32>} : memref<160x128xf32, #tpu.memory_space<vmem>>, vector<16xf32>,
          %parallel_loop3A_412 = arith.addf %scan3A_380, %parallel_loop3A_411 : vector<16xf32>
          %parallel_loop3A_413 = arith.addi %parallel_loop3A_142, %scan3A_374 : i32
          %parallel_loop3A_414 = arith.index_cast %parallel_loop3A_413 : i32 to index
          %parallel_loop3A_415 = arith.constant 96 : index
          %parallel_loop3A_416 = tpu.vector_load %arg9[%parallel_loop3A_414, %parallel_loop3A_415] {strides = array<i32>} : memref<160x128xf32, #tpu.memory_space<vmem>>, vector<16xf32>,
          %parallel_loop3A_417 = arith.addf %scan3A_381, %parallel_loop3A_416 : vector<16xf32>
          %parallel_loop3A_418 = arith.addi %parallel_loop3A_142, %scan3A_374 : i32
          %parallel_loop3A_419 = arith.index_cast %parallel_loop3A_418 : i32 to index
          %parallel_loop3A_420 = arith.constant 112 : index
          %parallel_loop3A_421 = tpu.vector_load %arg9[%parallel_loop3A_419, %parallel_loop3A_420] {strides = array<i32>} : memref<160x128xf32, #tpu.memory_space<vmem>>, vector<16xf32>,
          %parallel_loop3A_422 = arith.addf %scan3A_382, %parallel_loop3A_421 : vector<16xf32>
          %parallel_loop3A_423 = arith.constant 1 : i32
          %parallel_loop3A_424 = arith.addi %scan3A_374, %parallel_loop3A_423 : i32
          %parallel_loop3A_425 = arith.addi %parallel_loop3A_142, %parallel_loop3A_424 : i32
          %parallel_loop3A_426 = arith.index_cast %parallel_loop3A_425 : i32 to index
          %parallel_loop3A_427 = arith.constant 0 : index
          %parallel_loop3A_428 = tpu.vector_load %arg9[%parallel_loop3A_426, %parallel_loop3A_427] {strides = array<i32>} : memref<160x128xf32, #tpu.memory_space<vmem>>, vector<16xf32>,
          %parallel_loop3A_429 = arith.addf %parallel_loop3A_387, %parallel_loop3A_428 : vector<16xf32>
          %parallel_loop3A_430 = arith.addi %parallel_loop3A_142, %parallel_loop3A_424 : i32
          %parallel_loop3A_431 = arith.index_cast %parallel_loop3A_430 : i32 to index
          %parallel_loop3A_432 = arith.constant 16 : index
          %parallel_loop3A_433 = tpu.vector_load %arg9[%parallel_loop3A_431, %parallel_loop3A_432] {strides = array<i32>} : memref<160x128xf32, #tpu.memory_space<vmem>>, vector<16xf32>,
          %parallel_loop3A_434 = arith.addf %parallel_loop3A_392, %parallel_loop3A_433 : vector<16xf32>
          %parallel_loop3A_435 = arith.addi %parallel_loop3A_142, %parallel_loop3A_424 : i32
          %parallel_loop3A_436 = arith.index_cast %parallel_loop3A_435 : i32 to index
          %parallel_loop3A_437 = arith.constant 32 : index
          %parallel_loop3A_438 = tpu.vector_load %arg9[%parallel_loop3A_436, %parallel_loop3A_437] {strides = array<i32>} : memref<160x128xf32, #tpu.memory_space<vmem>>, vector<16xf32>,
          %parallel_loop3A_439 = arith.addf %parallel_loop3A_397, %parallel_loop3A_438 : vector<16xf32>
          %parallel_loop3A_440 = arith.addi %parallel_loop3A_142, %parallel_loop3A_424 : i32
          %parallel_loop3A_441 = arith.index_cast %parallel_loop3A_440 : i32 to index
          %parallel_loop3A_442 = arith.constant 48 : index
          %parallel_loop3A_443 = tpu.vector_load %arg9[%parallel_loop3A_441, %parallel_loop3A_442] {strides = array<i32>} : memref<160x128xf32, #tpu.memory_space<vmem>>, vector<16xf32>,
          %parallel_loop3A_444 = arith.addf %parallel_loop3A_402, %parallel_loop3A_443 : vector<16xf32>
          %parallel_loop3A_445 = arith.addi %parallel_loop3A_142, %parallel_loop3A_424 : i32
          %parallel_loop3A_446 = arith.index_cast %parallel_loop3A_445 : i32 to index
          %parallel_loop3A_447 = arith.constant 64 : index
          %parallel_loop3A_448 = tpu.vector_load %arg9[%parallel_loop3A_446, %parallel_loop3A_447] {strides = array<i32>} : memref<160x128xf32, #tpu.memory_space<vmem>>, vector<16xf32>,
          %parallel_loop3A_449 = arith.addf %parallel_loop3A_407, %parallel_loop3A_448 : vector<16xf32>
          %parallel_loop3A_450 = arith.addi %parallel_loop3A_142, %parallel_loop3A_424 : i32
          %parallel_loop3A_451 = arith.index_cast %parallel_loop3A_450 : i32 to index
          %parallel_loop3A_452 = arith.constant 80 : index
          %parallel_loop3A_453 = tpu.vector_load %arg9[%parallel_loop3A_451, %parallel_loop3A_452] {strides = array<i32>} : memref<160x128xf32, #tpu.memory_space<vmem>>, vector<16xf32>,
          %parallel_loop3A_454 = arith.addf %parallel_loop3A_412, %parallel_loop3A_453 : vector<16xf32>
          %parallel_loop3A_455 = arith.addi %parallel_loop3A_142, %parallel_loop3A_424 : i32
          %parallel_loop3A_456 = arith.index_cast %parallel_loop3A_455 : i32 to index
          %parallel_loop3A_457 = arith.constant 96 : index
          %parallel_loop3A_458 = tpu.vector_load %arg9[%parallel_loop3A_456, %parallel_loop3A_457] {strides = array<i32>} : memref<160x128xf32, #tpu.memory_space<vmem>>, vector<16xf32>,
          %parallel_loop3A_459 = arith.addf %parallel_loop3A_417, %parallel_loop3A_458 : vector<16xf32>
          %parallel_loop3A_460 = arith.addi %parallel_loop3A_142, %parallel_loop3A_424 : i32
          %parallel_loop3A_461 = arith.index_cast %parallel_loop3A_460 : i32 to index
          %parallel_loop3A_462 = arith.constant 112 : index
          %parallel_loop3A_463 = tpu.vector_load %arg9[%parallel_loop3A_461, %parallel_loop3A_462] {strides = array<i32>} : memref<160x128xf32, #tpu.memory_space<vmem>>, vector<16xf32>,
          %parallel_loop3A_464 = arith.addf %parallel_loop3A_422, %parallel_loop3A_463 : vector<16xf32>
          %parallel_loop3A_465 = arith.constant 2 : i32
          %parallel_loop3A_466 = arith.addi %scan3A_374, %parallel_loop3A_465 : i32
          %parallel_loop3A_467 = arith.addi %parallel_loop3A_142, %parallel_loop3A_466 : i32
          %parallel_loop3A_468 = arith.index_cast %parallel_loop3A_467 : i32 to index
          %parallel_loop3A_469 = arith.constant 0 : index
          %parallel_loop3A_470 = tpu.vector_load %arg9[%parallel_loop3A_468, %parallel_loop3A_469] {strides = array<i32>} : memref<160x128xf32, #tpu.memory_space<vmem>>, vector<16xf32>,
          %parallel_loop3A_471 = arith.addf %parallel_loop3A_429, %parallel_loop3A_470 : vector<16xf32>
          %parallel_loop3A_472 = arith.addi %parallel_loop3A_142, %parallel_loop3A_466 : i32
          %parallel_loop3A_473 = arith.index_cast %parallel_loop3A_472 : i32 to index
          %parallel_loop3A_474 = arith.constant 16 : index
          %parallel_loop3A_475 = tpu.vector_load %arg9[%parallel_loop3A_473, %parallel_loop3A_474] {strides = array<i32>} : memref<160x128xf32, #tpu.memory_space<vmem>>, vector<16xf32>,
          %parallel_loop3A_476 = arith.addf %parallel_loop3A_434, %parallel_loop3A_475 : vector<16xf32>
          %parallel_loop3A_477 = arith.addi %parallel_loop3A_142, %parallel_loop3A_466 : i32
          %parallel_loop3A_478 = arith.index_cast %parallel_loop3A_477 : i32 to index
          %parallel_loop3A_479 = arith.constant 32 : index
          %parallel_loop3A_480 = tpu.vector_load %arg9[%parallel_loop3A_478, %parallel_loop3A_479] {strides = array<i32>} : memref<160x128xf32, #tpu.memory_space<vmem>>, vector<16xf32>,
          %parallel_loop3A_481 = arith.addf %parallel_loop3A_439, %parallel_loop3A_480 : vector<16xf32>
          %parallel_loop3A_482 = arith.addi %parallel_loop3A_142, %parallel_loop3A_466 : i32
          %parallel_loop3A_483 = arith.index_cast %parallel_loop3A_482 : i32 to index
          %parallel_loop3A_484 = arith.constant 48 : index
          %parallel_loop3A_485 = tpu.vector_load %arg9[%parallel_loop3A_483, %parallel_loop3A_484] {strides = array<i32>} : memref<160x128xf32, #tpu.memory_space<vmem>>, vector<16xf32>,
          %parallel_loop3A_486 = arith.addf %parallel_loop3A_444, %parallel_loop3A_485 : vector<16xf32>
          %parallel_loop3A_487 = arith.addi %parallel_loop3A_142, %parallel_loop3A_466 : i32
          %parallel_loop3A_488 = arith.index_cast %parallel_loop3A_487 : i32 to index
          %parallel_loop3A_489 = arith.constant 64 : index
          %parallel_loop3A_490 = tpu.vector_load %arg9[%parallel_loop3A_488, %parallel_loop3A_489] {strides = array<i32>} : memref<160x128xf32, #tpu.memory_space<vmem>>, vector<16xf32>,
          %parallel_loop3A_491 = arith.addf %parallel_loop3A_449, %parallel_loop3A_490 : vector<16xf32>
          %parallel_loop3A_492 = arith.addi %parallel_loop3A_142, %parallel_loop3A_466 : i32
          %parallel_loop3A_493 = arith.index_cast %parallel_loop3A_492 : i32 to index
          %parallel_loop3A_494 = arith.constant 80 : index
          %parallel_loop3A_495 = tpu.vector_load %arg9[%parallel_loop3A_493, %parallel_loop3A_494] {strides = array<i32>} : memref<160x128xf32, #tpu.memory_space<vmem>>, vector<16xf32>,
          %parallel_loop3A_496 = arith.addf %parallel_loop3A_454, %parallel_loop3A_495 : vector<16xf32>
          %parallel_loop3A_497 = arith.addi %parallel_loop3A_142, %parallel_loop3A_466 : i32
          %parallel_loop3A_498 = arith.index_cast %parallel_loop3A_497 : i32 to index
          %parallel_loop3A_499 = arith.constant 96 : index
          %parallel_loop3A_500 = tpu.vector_load %arg9[%parallel_loop3A_498, %parallel_loop3A_499] {strides = array<i32>} : memref<160x128xf32, #tpu.memory_space<vmem>>, vector<16xf32>,
          %parallel_loop3A_501 = arith.addf %parallel_loop3A_459, %parallel_loop3A_500 : vector<16xf32>
          %parallel_loop3A_502 = arith.addi %parallel_loop3A_142, %parallel_loop3A_466 : i32
          %parallel_loop3A_503 = arith.index_cast %parallel_loop3A_502 : i32 to index
          %parallel_loop3A_504 = arith.constant 112 : index
          %parallel_loop3A_505 = tpu.vector_load %arg9[%parallel_loop3A_503, %parallel_loop3A_504] {strides = array<i32>} : memref<160x128xf32, #tpu.memory_space<vmem>>, vector<16xf32>,
          %parallel_loop3A_506 = arith.addf %parallel_loop3A_464, %parallel_loop3A_505 : vector<16xf32>
          %parallel_loop3A_507 = arith.constant 3 : i32
          %parallel_loop3A_508 = arith.addi %scan3A_374, %parallel_loop3A_507 : i32
          %parallel_loop3A_509 = arith.addi %parallel_loop3A_142, %parallel_loop3A_508 : i32
          %parallel_loop3A_510 = arith.index_cast %parallel_loop3A_509 : i32 to index
          %parallel_loop3A_511 = arith.constant 0 : index
          %parallel_loop3A_512 = tpu.vector_load %arg9[%parallel_loop3A_510, %parallel_loop3A_511] {strides = array<i32>} : memref<160x128xf32, #tpu.memory_space<vmem>>, vector<16xf32>,
          %parallel_loop3A_513 = arith.addf %parallel_loop3A_471, %parallel_loop3A_512 : vector<16xf32>
          %parallel_loop3A_514 = arith.addi %parallel_loop3A_142, %parallel_loop3A_508 : i32
          %parallel_loop3A_515 = arith.index_cast %parallel_loop3A_514 : i32 to index
          %parallel_loop3A_516 = arith.constant 16 : index
          %parallel_loop3A_517 = tpu.vector_load %arg9[%parallel_loop3A_515, %parallel_loop3A_516] {strides = array<i32>} : memref<160x128xf32, #tpu.memory_space<vmem>>, vector<16xf32>,
          %parallel_loop3A_518 = arith.addf %parallel_loop3A_476, %parallel_loop3A_517 : vector<16xf32>
          %parallel_loop3A_519 = arith.addi %parallel_loop3A_142, %parallel_loop3A_508 : i32
          %parallel_loop3A_520 = arith.index_cast %parallel_loop3A_519 : i32 to index
          %parallel_loop3A_521 = arith.constant 32 : index
          %parallel_loop3A_522 = tpu.vector_load %arg9[%parallel_loop3A_520, %parallel_loop3A_521] {strides = array<i32>} : memref<160x128xf32, #tpu.memory_space<vmem>>, vector<16xf32>,
          %parallel_loop3A_523 = arith.addf %parallel_loop3A_481, %parallel_loop3A_522 : vector<16xf32>
          %parallel_loop3A_524 = arith.addi %parallel_loop3A_142, %parallel_loop3A_508 : i32
          %parallel_loop3A_525 = arith.index_cast %parallel_loop3A_524 : i32 to index
          %parallel_loop3A_526 = arith.constant 48 : index
          %parallel_loop3A_527 = tpu.vector_load %arg9[%parallel_loop3A_525, %parallel_loop3A_526] {strides = array<i32>} : memref<160x128xf32, #tpu.memory_space<vmem>>, vector<16xf32>,
          %parallel_loop3A_528 = arith.addf %parallel_loop3A_486, %parallel_loop3A_527 : vector<16xf32>
          %parallel_loop3A_529 = arith.addi %parallel_loop3A_142, %parallel_loop3A_508 : i32
          %parallel_loop3A_530 = arith.index_cast %parallel_loop3A_529 : i32 to index
          %parallel_loop3A_531 = arith.constant 64 : index
          %parallel_loop3A_532 = tpu.vector_load %arg9[%parallel_loop3A_530, %parallel_loop3A_531] {strides = array<i32>} : memref<160x128xf32, #tpu.memory_space<vmem>>, vector<16xf32>,
          %parallel_loop3A_533 = arith.addf %parallel_loop3A_491, %parallel_loop3A_532 : vector<16xf32>
          %parallel_loop3A_534 = arith.addi %parallel_loop3A_142, %parallel_loop3A_508 : i32
          %parallel_loop3A_535 = arith.index_cast %parallel_loop3A_534 : i32 to index
          %parallel_loop3A_536 = arith.constant 80 : index
          %parallel_loop3A_537 = tpu.vector_load %arg9[%parallel_loop3A_535, %parallel_loop3A_536] {strides = array<i32>} : memref<160x128xf32, #tpu.memory_space<vmem>>, vector<16xf32>,
          %parallel_loop3A_538 = arith.addf %parallel_loop3A_496, %parallel_loop3A_537 : vector<16xf32>
          %parallel_loop3A_539 = arith.addi %parallel_loop3A_142, %parallel_loop3A_508 : i32
          %parallel_loop3A_540 = arith.index_cast %parallel_loop3A_539 : i32 to index
          %parallel_loop3A_541 = arith.constant 96 : index
          %parallel_loop3A_542 = tpu.vector_load %arg9[%parallel_loop3A_540, %parallel_loop3A_541] {strides = array<i32>} : memref<160x128xf32, #tpu.memory_space<vmem>>, vector<16xf32>,
          %parallel_loop3A_543 = arith.addf %parallel_loop3A_501, %parallel_loop3A_542 : vector<16xf32>
          %parallel_loop3A_544 = arith.addi %parallel_loop3A_142, %parallel_loop3A_508 : i32
          %parallel_loop3A_545 = arith.index_cast %parallel_loop3A_544 : i32 to index
          %parallel_loop3A_546 = arith.constant 112 : index
          %parallel_loop3A_547 = tpu.vector_load %arg9[%parallel_loop3A_545, %parallel_loop3A_546] {strides = array<i32>} : memref<160x128xf32, #tpu.memory_space<vmem>>, vector<16xf32>,
          %parallel_loop3A_548 = arith.addf %parallel_loop3A_506, %parallel_loop3A_547 : vector<16xf32>
          %parallel_loop3A_549 = arith.constant 4 : i32
          %parallel_loop3A_550 = arith.addi %scan3A_374, %parallel_loop3A_549 : i32
          %parallel_loop3A_551 = arith.addi %parallel_loop3A_142, %parallel_loop3A_550 : i32
          %parallel_loop3A_552 = arith.index_cast %parallel_loop3A_551 : i32 to index
          %parallel_loop3A_553 = arith.constant 0 : index
          %parallel_loop3A_554 = tpu.vector_load %arg9[%parallel_loop3A_552, %parallel_loop3A_553] {strides = array<i32>} : memref<160x128xf32, #tpu.memory_space<vmem>>, vector<16xf32>,
          %parallel_loop3A_555 = arith.addf %parallel_loop3A_513, %parallel_loop3A_554 : vector<16xf32>
          %parallel_loop3A_556 = arith.addi %parallel_loop3A_142, %parallel_loop3A_550 : i32
          %parallel_loop3A_557 = arith.index_cast %parallel_loop3A_556 : i32 to index
          %parallel_loop3A_558 = arith.constant 16 : index
          %parallel_loop3A_559 = tpu.vector_load %arg9[%parallel_loop3A_557, %parallel_loop3A_558] {strides = array<i32>} : memref<160x128xf32, #tpu.memory_space<vmem>>, vector<16xf32>,
          %parallel_loop3A_560 = arith.addf %parallel_loop3A_518, %parallel_loop3A_559 : vector<16xf32>
          %parallel_loop3A_561 = arith.addi %parallel_loop3A_142, %parallel_loop3A_550 : i32
          %parallel_loop3A_562 = arith.index_cast %parallel_loop3A_561 : i32 to index
          %parallel_loop3A_563 = arith.constant 32 : index
          %parallel_loop3A_564 = tpu.vector_load %arg9[%parallel_loop3A_562, %parallel_loop3A_563] {strides = array<i32>} : memref<160x128xf32, #tpu.memory_space<vmem>>, vector<16xf32>,
          %parallel_loop3A_565 = arith.addf %parallel_loop3A_523, %parallel_loop3A_564 : vector<16xf32>
          %parallel_loop3A_566 = arith.addi %parallel_loop3A_142, %parallel_loop3A_550 : i32
          %parallel_loop3A_567 = arith.index_cast %parallel_loop3A_566 : i32 to index
          %parallel_loop3A_568 = arith.constant 48 : index
          %parallel_loop3A_569 = tpu.vector_load %arg9[%parallel_loop3A_567, %parallel_loop3A_568] {strides = array<i32>} : memref<160x128xf32, #tpu.memory_space<vmem>>, vector<16xf32>,
          %parallel_loop3A_570 = arith.addf %parallel_loop3A_528, %parallel_loop3A_569 : vector<16xf32>
          %parallel_loop3A_571 = arith.addi %parallel_loop3A_142, %parallel_loop3A_550 : i32
          %parallel_loop3A_572 = arith.index_cast %parallel_loop3A_571 : i32 to index
          %parallel_loop3A_573 = arith.constant 64 : index
          %parallel_loop3A_574 = tpu.vector_load %arg9[%parallel_loop3A_572, %parallel_loop3A_573] {strides = array<i32>} : memref<160x128xf32, #tpu.memory_space<vmem>>, vector<16xf32>,
          %parallel_loop3A_575 = arith.addf %parallel_loop3A_533, %parallel_loop3A_574 : vector<16xf32>
          %parallel_loop3A_576 = arith.addi %parallel_loop3A_142, %parallel_loop3A_550 : i32
          %parallel_loop3A_577 = arith.index_cast %parallel_loop3A_576 : i32 to index
          %parallel_loop3A_578 = arith.constant 80 : index
          %parallel_loop3A_579 = tpu.vector_load %arg9[%parallel_loop3A_577, %parallel_loop3A_578] {strides = array<i32>} : memref<160x128xf32, #tpu.memory_space<vmem>>, vector<16xf32>,
          %parallel_loop3A_580 = arith.addf %parallel_loop3A_538, %parallel_loop3A_579 : vector<16xf32>
          %parallel_loop3A_581 = arith.addi %parallel_loop3A_142, %parallel_loop3A_550 : i32
          %parallel_loop3A_582 = arith.index_cast %parallel_loop3A_581 : i32 to index
          %parallel_loop3A_583 = arith.constant 96 : index
          %parallel_loop3A_584 = tpu.vector_load %arg9[%parallel_loop3A_582, %parallel_loop3A_583] {strides = array<i32>} : memref<160x128xf32, #tpu.memory_space<vmem>>, vector<16xf32>,
          %parallel_loop3A_585 = arith.addf %parallel_loop3A_543, %parallel_loop3A_584 : vector<16xf32>
          %parallel_loop3A_586 = arith.addi %parallel_loop3A_142, %parallel_loop3A_550 : i32
          %parallel_loop3A_587 = arith.index_cast %parallel_loop3A_586 : i32 to index
          %parallel_loop3A_588 = arith.constant 112 : index
          %parallel_loop3A_589 = tpu.vector_load %arg9[%parallel_loop3A_587, %parallel_loop3A_588] {strides = array<i32>} : memref<160x128xf32, #tpu.memory_space<vmem>>, vector<16xf32>,
          %parallel_loop3A_590 = arith.addf %parallel_loop3A_548, %parallel_loop3A_589 : vector<16xf32>
          scf.yield %parallel_loop3A_555, %parallel_loop3A_560, %parallel_loop3A_565, %parallel_loop3A_570, %parallel_loop3A_575, %parallel_loop3A_580, %parallel_loop3A_585, %parallel_loop3A_590 : vector<16xf32>, vector<16xf32>, vector<16xf32>, vector<16xf32>, vector<16xf32>, vector<16xf32>, vector<16xf32>, vector<16xf32>
        }
        %parallel_loop3A_172 = arith.constant 15 : i32
        %parallel_loop3A_173 = arith.addi %parallel_loop3A_167, %parallel_loop3A_172 : i32
        %parallel_loop3A_174 = arith.addi %parallel_loop3A_142, %parallel_loop3A_173 : i32
        %parallel_loop3A_175 = arith.index_cast %parallel_loop3A_174 : i32 to index
        %parallel_loop3A_176 = arith.constant 0 : index
        %parallel_loop3A_177 = tpu.vector_load %arg9[%parallel_loop3A_175, %parallel_loop3A_176] {strides = array<i32>} : memref<160x128xf32, #tpu.memory_space<vmem>>, vector<16xf32>,
        %parallel_loop3A_178 = arith.addf %parallel_loop3A_171#0, %parallel_loop3A_177 : vector<16xf32>
        %parallel_loop3A_179 = arith.addi %parallel_loop3A_142, %parallel_loop3A_173 : i32
        %parallel_loop3A_180 = arith.index_cast %parallel_loop3A_179 : i32 to index
        %parallel_loop3A_181 = arith.constant 16 : index
        %parallel_loop3A_182 = tpu.vector_load %arg9[%parallel_loop3A_180, %parallel_loop3A_181] {strides = array<i32>} : memref<160x128xf32, #tpu.memory_space<vmem>>, vector<16xf32>,
        %parallel_loop3A_183 = arith.addf %parallel_loop3A_171#1, %parallel_loop3A_182 : vector<16xf32>
        %parallel_loop3A_184 = arith.addi %parallel_loop3A_142, %parallel_loop3A_173 : i32
        %parallel_loop3A_185 = arith.index_cast %parallel_loop3A_184 : i32 to index
        %parallel_loop3A_186 = arith.constant 32 : index
        %parallel_loop3A_187 = tpu.vector_load %arg9[%parallel_loop3A_185, %parallel_loop3A_186] {strides = array<i32>} : memref<160x128xf32, #tpu.memory_space<vmem>>, vector<16xf32>,
        %parallel_loop3A_188 = arith.addf %parallel_loop3A_171#2, %parallel_loop3A_187 : vector<16xf32>
        %parallel_loop3A_189 = arith.addi %parallel_loop3A_142, %parallel_loop3A_173 : i32
        %parallel_loop3A_190 = arith.index_cast %parallel_loop3A_189 : i32 to index
        %parallel_loop3A_191 = arith.constant 48 : index
        %parallel_loop3A_192 = tpu.vector_load %arg9[%parallel_loop3A_190, %parallel_loop3A_191] {strides = array<i32>} : memref<160x128xf32, #tpu.memory_space<vmem>>, vector<16xf32>,
        %parallel_loop3A_193 = arith.addf %parallel_loop3A_171#3, %parallel_loop3A_192 : vector<16xf32>
        %parallel_loop3A_194 = arith.addi %parallel_loop3A_142, %parallel_loop3A_173 : i32
        %parallel_loop3A_195 = arith.index_cast %parallel_loop3A_194 : i32 to index
        %parallel_loop3A_196 = arith.constant 64 : index
        %parallel_loop3A_197 = tpu.vector_load %arg9[%parallel_loop3A_195, %parallel_loop3A_196] {strides = array<i32>} : memref<160x128xf32, #tpu.memory_space<vmem>>, vector<16xf32>,
        %parallel_loop3A_198 = arith.addf %parallel_loop3A_171#4, %parallel_loop3A_197 : vector<16xf32>
        %parallel_loop3A_199 = arith.addi %parallel_loop3A_142, %parallel_loop3A_173 : i32
        %parallel_loop3A_200 = arith.index_cast %parallel_loop3A_199 : i32 to index
        %parallel_loop3A_201 = arith.constant 80 : index
        %parallel_loop3A_202 = tpu.vector_load %arg9[%parallel_loop3A_200, %parallel_loop3A_201] {strides = array<i32>} : memref<160x128xf32, #tpu.memory_space<vmem>>, vector<16xf32>,
        %parallel_loop3A_203 = arith.addf %parallel_loop3A_171#5, %parallel_loop3A_202 : vector<16xf32>
        %parallel_loop3A_204 = arith.addi %parallel_loop3A_142, %parallel_loop3A_173 : i32
        %parallel_loop3A_205 = arith.index_cast %parallel_loop3A_204 : i32 to index
        %parallel_loop3A_206 = arith.constant 96 : index
        %parallel_loop3A_207 = tpu.vector_load %arg9[%parallel_loop3A_205, %parallel_loop3A_206] {strides = array<i32>} : memref<160x128xf32, #tpu.memory_space<vmem>>, vector<16xf32>,
        %parallel_loop3A_208 = arith.addf %parallel_loop3A_171#6, %parallel_loop3A_207 : vector<16xf32>
        %parallel_loop3A_209 = arith.addi %parallel_loop3A_142, %parallel_loop3A_173 : i32
        %parallel_loop3A_210 = arith.index_cast %parallel_loop3A_209 : i32 to index
        %parallel_loop3A_211 = arith.constant 112 : index
        %parallel_loop3A_212 = tpu.vector_load %arg9[%parallel_loop3A_210, %parallel_loop3A_211] {strides = array<i32>} : memref<160x128xf32, #tpu.memory_space<vmem>>, vector<16xf32>,
        %parallel_loop3A_213 = arith.addf %parallel_loop3A_171#7, %parallel_loop3A_212 : vector<16xf32>
        %parallel_loop3A_214 = arith.constant 16 : i32
        %parallel_loop3A_215 = arith.addi %parallel_loop3A_167, %parallel_loop3A_214 : i32
        %parallel_loop3A_216 = arith.addi %parallel_loop3A_142, %parallel_loop3A_215 : i32
        %parallel_loop3A_217 = arith.index_cast %parallel_loop3A_216 : i32 to index
        %parallel_loop3A_218 = arith.constant 0 : index
        %parallel_loop3A_219 = tpu.vector_load %arg9[%parallel_loop3A_217, %parallel_loop3A_218] {strides = array<i32>} : memref<160x128xf32, #tpu.memory_space<vmem>>, vector<16xf32>,
        %parallel_loop3A_220 = arith.addf %parallel_loop3A_178, %parallel_loop3A_219 : vector<16xf32>
        %parallel_loop3A_221 = arith.addi %parallel_loop3A_142, %parallel_loop3A_215 : i32
        %parallel_loop3A_222 = arith.index_cast %parallel_loop3A_221 : i32 to index
        %parallel_loop3A_223 = arith.constant 16 : index
        %parallel_loop3A_224 = tpu.vector_load %arg9[%parallel_loop3A_222, %parallel_loop3A_223] {strides = array<i32>} : memref<160x128xf32, #tpu.memory_space<vmem>>, vector<16xf32>,
        %parallel_loop3A_225 = arith.addf %parallel_loop3A_183, %parallel_loop3A_224 : vector<16xf32>
        %parallel_loop3A_226 = arith.addi %parallel_loop3A_142, %parallel_loop3A_215 : i32
        %parallel_loop3A_227 = arith.index_cast %parallel_loop3A_226 : i32 to index
        %parallel_loop3A_228 = arith.constant 32 : index
        %parallel_loop3A_229 = tpu.vector_load %arg9[%parallel_loop3A_227, %parallel_loop3A_228] {strides = array<i32>} : memref<160x128xf32, #tpu.memory_space<vmem>>, vector<16xf32>,
        %parallel_loop3A_230 = arith.addf %parallel_loop3A_188, %parallel_loop3A_229 : vector<16xf32>
        %parallel_loop3A_231 = arith.addi %parallel_loop3A_142, %parallel_loop3A_215 : i32
        %parallel_loop3A_232 = arith.index_cast %parallel_loop3A_231 : i32 to index
        %parallel_loop3A_233 = arith.constant 48 : index
        %parallel_loop3A_234 = tpu.vector_load %arg9[%parallel_loop3A_232, %parallel_loop3A_233] {strides = array<i32>} : memref<160x128xf32, #tpu.memory_space<vmem>>, vector<16xf32>,
        %parallel_loop3A_235 = arith.addf %parallel_loop3A_193, %parallel_loop3A_234 : vector<16xf32>
        %parallel_loop3A_236 = arith.addi %parallel_loop3A_142, %parallel_loop3A_215 : i32
        %parallel_loop3A_237 = arith.index_cast %parallel_loop3A_236 : i32 to index
        %parallel_loop3A_238 = arith.constant 64 : index
        %parallel_loop3A_239 = tpu.vector_load %arg9[%parallel_loop3A_237, %parallel_loop3A_238] {strides = array<i32>} : memref<160x128xf32, #tpu.memory_space<vmem>>, vector<16xf32>,
        %parallel_loop3A_240 = arith.addf %parallel_loop3A_198, %parallel_loop3A_239 : vector<16xf32>
        %parallel_loop3A_241 = arith.addi %parallel_loop3A_142, %parallel_loop3A_215 : i32
        %parallel_loop3A_242 = arith.index_cast %parallel_loop3A_241 : i32 to index
        %parallel_loop3A_243 = arith.constant 80 : index
        %parallel_loop3A_244 = tpu.vector_load %arg9[%parallel_loop3A_242, %parallel_loop3A_243] {strides = array<i32>} : memref<160x128xf32, #tpu.memory_space<vmem>>, vector<16xf32>,
        %parallel_loop3A_245 = arith.addf %parallel_loop3A_203, %parallel_loop3A_244 : vector<16xf32>
        %parallel_loop3A_246 = arith.addi %parallel_loop3A_142, %parallel_loop3A_215 : i32
        %parallel_loop3A_247 = arith.index_cast %parallel_loop3A_246 : i32 to index
        %parallel_loop3A_248 = arith.constant 96 : index
        %parallel_loop3A_249 = tpu.vector_load %arg9[%parallel_loop3A_247, %parallel_loop3A_248] {strides = array<i32>} : memref<160x128xf32, #tpu.memory_space<vmem>>, vector<16xf32>,
        %parallel_loop3A_250 = arith.addf %parallel_loop3A_208, %parallel_loop3A_249 : vector<16xf32>
        %parallel_loop3A_251 = arith.addi %parallel_loop3A_142, %parallel_loop3A_215 : i32
        %parallel_loop3A_252 = arith.index_cast %parallel_loop3A_251 : i32 to index
        %parallel_loop3A_253 = arith.constant 112 : index
        %parallel_loop3A_254 = tpu.vector_load %arg9[%parallel_loop3A_252, %parallel_loop3A_253] {strides = array<i32>} : memref<160x128xf32, #tpu.memory_space<vmem>>, vector<16xf32>,
        %parallel_loop3A_255 = arith.addf %parallel_loop3A_213, %parallel_loop3A_254 : vector<16xf32>
        %parallel_loop3A_256 = arith.constant 17 : i32
        %parallel_loop3A_257 = arith.addi %parallel_loop3A_167, %parallel_loop3A_256 : i32
        %parallel_loop3A_258 = arith.addi %parallel_loop3A_142, %parallel_loop3A_257 : i32
        %parallel_loop3A_259 = arith.index_cast %parallel_loop3A_258 : i32 to index
        %parallel_loop3A_260 = arith.constant 0 : index
        %parallel_loop3A_261 = tpu.vector_load %arg9[%parallel_loop3A_259, %parallel_loop3A_260] {strides = array<i32>} : memref<160x128xf32, #tpu.memory_space<vmem>>, vector<16xf32>,
        %parallel_loop3A_262 = arith.addf %parallel_loop3A_220, %parallel_loop3A_261 : vector<16xf32>
        %parallel_loop3A_263 = arith.addi %parallel_loop3A_142, %parallel_loop3A_257 : i32
        %parallel_loop3A_264 = arith.index_cast %parallel_loop3A_263 : i32 to index
        %parallel_loop3A_265 = arith.constant 16 : index
        %parallel_loop3A_266 = tpu.vector_load %arg9[%parallel_loop3A_264, %parallel_loop3A_265] {strides = array<i32>} : memref<160x128xf32, #tpu.memory_space<vmem>>, vector<16xf32>,
        %parallel_loop3A_267 = arith.addf %parallel_loop3A_225, %parallel_loop3A_266 : vector<16xf32>
        %parallel_loop3A_268 = arith.addi %parallel_loop3A_142, %parallel_loop3A_257 : i32
        %parallel_loop3A_269 = arith.index_cast %parallel_loop3A_268 : i32 to index
        %parallel_loop3A_270 = arith.constant 32 : index
        %parallel_loop3A_271 = tpu.vector_load %arg9[%parallel_loop3A_269, %parallel_loop3A_270] {strides = array<i32>} : memref<160x128xf32, #tpu.memory_space<vmem>>, vector<16xf32>,
        %parallel_loop3A_272 = arith.addf %parallel_loop3A_230, %parallel_loop3A_271 : vector<16xf32>
        %parallel_loop3A_273 = arith.addi %parallel_loop3A_142, %parallel_loop3A_257 : i32
        %parallel_loop3A_274 = arith.index_cast %parallel_loop3A_273 : i32 to index
        %parallel_loop3A_275 = arith.constant 48 : index
        %parallel_loop3A_276 = tpu.vector_load %arg9[%parallel_loop3A_274, %parallel_loop3A_275] {strides = array<i32>} : memref<160x128xf32, #tpu.memory_space<vmem>>, vector<16xf32>,
        %parallel_loop3A_277 = arith.addf %parallel_loop3A_235, %parallel_loop3A_276 : vector<16xf32>
        %parallel_loop3A_278 = arith.addi %parallel_loop3A_142, %parallel_loop3A_257 : i32
        %parallel_loop3A_279 = arith.index_cast %parallel_loop3A_278 : i32 to index
        %parallel_loop3A_280 = arith.constant 64 : index
        %parallel_loop3A_281 = tpu.vector_load %arg9[%parallel_loop3A_279, %parallel_loop3A_280] {strides = array<i32>} : memref<160x128xf32, #tpu.memory_space<vmem>>, vector<16xf32>,
        %parallel_loop3A_282 = arith.addf %parallel_loop3A_240, %parallel_loop3A_281 : vector<16xf32>
        %parallel_loop3A_283 = arith.addi %parallel_loop3A_142, %parallel_loop3A_257 : i32
        %parallel_loop3A_284 = arith.index_cast %parallel_loop3A_283 : i32 to index
        %parallel_loop3A_285 = arith.constant 80 : index
        %parallel_loop3A_286 = tpu.vector_load %arg9[%parallel_loop3A_284, %parallel_loop3A_285] {strides = array<i32>} : memref<160x128xf32, #tpu.memory_space<vmem>>, vector<16xf32>,
        %parallel_loop3A_287 = arith.addf %parallel_loop3A_245, %parallel_loop3A_286 : vector<16xf32>
        %parallel_loop3A_288 = arith.addi %parallel_loop3A_142, %parallel_loop3A_257 : i32
        %parallel_loop3A_289 = arith.index_cast %parallel_loop3A_288 : i32 to index
        %parallel_loop3A_290 = arith.constant 96 : index
        %parallel_loop3A_291 = tpu.vector_load %arg9[%parallel_loop3A_289, %parallel_loop3A_290] {strides = array<i32>} : memref<160x128xf32, #tpu.memory_space<vmem>>, vector<16xf32>,
        %parallel_loop3A_292 = arith.addf %parallel_loop3A_250, %parallel_loop3A_291 : vector<16xf32>
        %parallel_loop3A_293 = arith.addi %parallel_loop3A_142, %parallel_loop3A_257 : i32
        %parallel_loop3A_294 = arith.index_cast %parallel_loop3A_293 : i32 to index
        %parallel_loop3A_295 = arith.constant 112 : index
        %parallel_loop3A_296 = tpu.vector_load %arg9[%parallel_loop3A_294, %parallel_loop3A_295] {strides = array<i32>} : memref<160x128xf32, #tpu.memory_space<vmem>>, vector<16xf32>,
        %parallel_loop3A_297 = arith.addf %parallel_loop3A_255, %parallel_loop3A_296 : vector<16xf32>
        %parallel_loop3A_298 = arith.constant 18 : i32
        %parallel_loop3A_299 = arith.addi %parallel_loop3A_167, %parallel_loop3A_298 : i32
        %parallel_loop3A_300 = arith.addi %parallel_loop3A_142, %parallel_loop3A_299 : i32
        %parallel_loop3A_301 = arith.index_cast %parallel_loop3A_300 : i32 to index
        %parallel_loop3A_302 = arith.constant 0 : index
        %parallel_loop3A_303 = tpu.vector_load %arg9[%parallel_loop3A_301, %parallel_loop3A_302] {strides = array<i32>} : memref<160x128xf32, #tpu.memory_space<vmem>>, vector<16xf32>,
        %parallel_loop3A_304 = arith.addf %parallel_loop3A_262, %parallel_loop3A_303 : vector<16xf32>
        %parallel_loop3A_305 = arith.addi %parallel_loop3A_142, %parallel_loop3A_299 : i32
        %parallel_loop3A_306 = arith.index_cast %parallel_loop3A_305 : i32 to index
        %parallel_loop3A_307 = arith.constant 16 : index
        %parallel_loop3A_308 = tpu.vector_load %arg9[%parallel_loop3A_306, %parallel_loop3A_307] {strides = array<i32>} : memref<160x128xf32, #tpu.memory_space<vmem>>, vector<16xf32>,
        %parallel_loop3A_309 = arith.addf %parallel_loop3A_267, %parallel_loop3A_308 : vector<16xf32>
        %parallel_loop3A_310 = arith.addi %parallel_loop3A_142, %parallel_loop3A_299 : i32
        %parallel_loop3A_311 = arith.index_cast %parallel_loop3A_310 : i32 to index
        %parallel_loop3A_312 = arith.constant 32 : index
        %parallel_loop3A_313 = tpu.vector_load %arg9[%parallel_loop3A_311, %parallel_loop3A_312] {strides = array<i32>} : memref<160x128xf32, #tpu.memory_space<vmem>>, vector<16xf32>,
        %parallel_loop3A_314 = arith.addf %parallel_loop3A_272, %parallel_loop3A_313 : vector<16xf32>
        %parallel_loop3A_315 = arith.addi %parallel_loop3A_142, %parallel_loop3A_299 : i32
        %parallel_loop3A_316 = arith.index_cast %parallel_loop3A_315 : i32 to index
        %parallel_loop3A_317 = arith.constant 48 : index
        %parallel_loop3A_318 = tpu.vector_load %arg9[%parallel_loop3A_316, %parallel_loop3A_317] {strides = array<i32>} : memref<160x128xf32, #tpu.memory_space<vmem>>, vector<16xf32>,
        %parallel_loop3A_319 = arith.addf %parallel_loop3A_277, %parallel_loop3A_318 : vector<16xf32>
        %parallel_loop3A_320 = arith.addi %parallel_loop3A_142, %parallel_loop3A_299 : i32
        %parallel_loop3A_321 = arith.index_cast %parallel_loop3A_320 : i32 to index
        %parallel_loop3A_322 = arith.constant 64 : index
        %parallel_loop3A_323 = tpu.vector_load %arg9[%parallel_loop3A_321, %parallel_loop3A_322] {strides = array<i32>} : memref<160x128xf32, #tpu.memory_space<vmem>>, vector<16xf32>,
        %parallel_loop3A_324 = arith.addf %parallel_loop3A_282, %parallel_loop3A_323 : vector<16xf32>
        %parallel_loop3A_325 = arith.addi %parallel_loop3A_142, %parallel_loop3A_299 : i32
        %parallel_loop3A_326 = arith.index_cast %parallel_loop3A_325 : i32 to index
        %parallel_loop3A_327 = arith.constant 80 : index
        %parallel_loop3A_328 = tpu.vector_load %arg9[%parallel_loop3A_326, %parallel_loop3A_327] {strides = array<i32>} : memref<160x128xf32, #tpu.memory_space<vmem>>, vector<16xf32>,
        %parallel_loop3A_329 = arith.addf %parallel_loop3A_287, %parallel_loop3A_328 : vector<16xf32>
        %parallel_loop3A_330 = arith.addi %parallel_loop3A_142, %parallel_loop3A_299 : i32
        %parallel_loop3A_331 = arith.index_cast %parallel_loop3A_330 : i32 to index
        %parallel_loop3A_332 = arith.constant 96 : index
        %parallel_loop3A_333 = tpu.vector_load %arg9[%parallel_loop3A_331, %parallel_loop3A_332] {strides = array<i32>} : memref<160x128xf32, #tpu.memory_space<vmem>>, vector<16xf32>,
        %parallel_loop3A_334 = arith.addf %parallel_loop3A_292, %parallel_loop3A_333 : vector<16xf32>
        %parallel_loop3A_335 = arith.addi %parallel_loop3A_142, %parallel_loop3A_299 : i32
        %parallel_loop3A_336 = arith.index_cast %parallel_loop3A_335 : i32 to index
        %parallel_loop3A_337 = arith.constant 112 : index
        %parallel_loop3A_338 = tpu.vector_load %arg9[%parallel_loop3A_336, %parallel_loop3A_337] {strides = array<i32>} : memref<160x128xf32, #tpu.memory_space<vmem>>, vector<16xf32>,
        %parallel_loop3A_339 = arith.addf %parallel_loop3A_297, %parallel_loop3A_338 : vector<16xf32>
        %parallel_loop3A_340 = arith.constant 19 : i32
        %parallel_loop3A_341 = arith.constant 5.000000e-02 : f32
        %parallel_loop3A_342 = vector.broadcast %parallel_loop3A_341 : f32 to vector<16xf32>
        %parallel_loop3A_343 = arith.mulf %parallel_loop3A_304, %parallel_loop3A_342 : vector<16xf32>
        %parallel_loop3A_344 = arith.constant 5.000000e-02 : f32
        %parallel_loop3A_345 = vector.broadcast %parallel_loop3A_344 : f32 to vector<16xf32>
        %parallel_loop3A_346 = arith.mulf %parallel_loop3A_309, %parallel_loop3A_345 : vector<16xf32>
        %parallel_loop3A_347 = arith.constant 5.000000e-02 : f32
        %parallel_loop3A_348 = vector.broadcast %parallel_loop3A_347 : f32 to vector<16xf32>
        %parallel_loop3A_349 = arith.mulf %parallel_loop3A_314, %parallel_loop3A_348 : vector<16xf32>
        %parallel_loop3A_350 = arith.constant 5.000000e-02 : f32
        %parallel_loop3A_351 = vector.broadcast %parallel_loop3A_350 : f32 to vector<16xf32>
        %parallel_loop3A_352 = arith.mulf %parallel_loop3A_319, %parallel_loop3A_351 : vector<16xf32>
        %parallel_loop3A_353 = arith.constant 5.000000e-02 : f32
        %parallel_loop3A_354 = vector.broadcast %parallel_loop3A_353 : f32 to vector<16xf32>
        %parallel_loop3A_355 = arith.mulf %parallel_loop3A_324, %parallel_loop3A_354 : vector<16xf32>
        %parallel_loop3A_356 = arith.constant 5.000000e-02 : f32
        %parallel_loop3A_357 = vector.broadcast %parallel_loop3A_356 : f32 to vector<16xf32>
        %parallel_loop3A_358 = arith.mulf %parallel_loop3A_329, %parallel_loop3A_357 : vector<16xf32>
        %parallel_loop3A_359 = arith.constant 5.000000e-02 : f32
        %parallel_loop3A_360 = vector.broadcast %parallel_loop3A_359 : f32 to vector<16xf32>
        %parallel_loop3A_361 = arith.mulf %parallel_loop3A_334, %parallel_loop3A_360 : vector<16xf32>
        %parallel_loop3A_362 = arith.constant 5.000000e-02 : f32
        %parallel_loop3A_363 = vector.broadcast %parallel_loop3A_362 : f32 to vector<16xf32>
        %parallel_loop3A_364 = arith.mulf %parallel_loop3A_339, %parallel_loop3A_363 : vector<16xf32>
        %parallel_loop3A_365 = arith.constant 51 : i32
        %parallel_loop3A_366 = arith.muli %parallel_loop3A_140, %parallel_loop3A_365 : i32
        %parallel_loop3A_367 = arith.constant 52 : i32
        %parallel_loop3A_368 = arith.muli %parallel_loop3A_140, %parallel_loop3A_367 : i32
        %parallel_loop3A_369 = arith.constant 16 : i32
        %parallel_loop3A_370 = arith.muli %parallel_loop3A_368, %parallel_loop3A_369 : i32
        %parallel_loop3A_371 = arith.constant 0 : i32
        %parallel_loop3A_372 = arith.constant 52 : i32
        %parallel_loop3A_373 = arith.constant 1 : i32
        scf.for %parallel_loop3A_374 = %parallel_loop3A_371 to %parallel_loop3A_372 step %parallel_loop3A_373  : i32 {
          %parallel_loop3A_375 = arith.addi %parallel_loop3A_366, %parallel_loop3A_374 : i32
          %parallel_loop3A_376 = arith.constant 407 : i32
          %parallel_loop3A_377 = arith.minsi %parallel_loop3A_375, %parallel_loop3A_376 : i32
          %parallel_loop3A_378 = arith.index_cast %parallel_loop3A_377 : i32 to index
          %parallel_loop3A_379 = arith.constant 0 : index
          %parallel_loop3A_380 = tpu.vector_load %arg10[%parallel_loop3A_378, %parallel_loop3A_379] {strides = array<i32>} : memref<408x128xf32, #tpu.memory_space<vmem>>, vector<16xf32>,
          %parallel_loop3A_381 = arith.mulf %parallel_loop3A_380, %parallel_loop3A_343 : vector<16xf32>
          %parallel_loop3A_382 = arith.index_cast %parallel_loop3A_377 : i32 to index
          %parallel_loop3A_383 = arith.constant 16 : index
          %parallel_loop3A_384 = tpu.vector_load %arg10[%parallel_loop3A_382, %parallel_loop3A_383] {strides = array<i32>} : memref<408x128xf32, #tpu.memory_space<vmem>>, vector<16xf32>,
          %parallel_loop3A_385 = arith.mulf %parallel_loop3A_384, %parallel_loop3A_346 : vector<16xf32>
          %parallel_loop3A_386 = arith.index_cast %parallel_loop3A_377 : i32 to index
          %parallel_loop3A_387 = arith.constant 32 : index
          %parallel_loop3A_388 = tpu.vector_load %arg10[%parallel_loop3A_386, %parallel_loop3A_387] {strides = array<i32>} : memref<408x128xf32, #tpu.memory_space<vmem>>, vector<16xf32>,
          %parallel_loop3A_389 = arith.mulf %parallel_loop3A_388, %parallel_loop3A_349 : vector<16xf32>
          %parallel_loop3A_390 = arith.index_cast %parallel_loop3A_377 : i32 to index
          %parallel_loop3A_391 = arith.constant 48 : index
          %parallel_loop3A_392 = tpu.vector_load %arg10[%parallel_loop3A_390, %parallel_loop3A_391] {strides = array<i32>} : memref<408x128xf32, #tpu.memory_space<vmem>>, vector<16xf32>,
          %parallel_loop3A_393 = arith.mulf %parallel_loop3A_392, %parallel_loop3A_352 : vector<16xf32>
          %parallel_loop3A_394 = arith.index_cast %parallel_loop3A_377 : i32 to index
          %parallel_loop3A_395 = arith.constant 64 : index
          %parallel_loop3A_396 = tpu.vector_load %arg10[%parallel_loop3A_394, %parallel_loop3A_395] {strides = array<i32>} : memref<408x128xf32, #tpu.memory_space<vmem>>, vector<16xf32>,
          %parallel_loop3A_397 = arith.mulf %parallel_loop3A_396, %parallel_loop3A_355 : vector<16xf32>
          %parallel_loop3A_398 = arith.index_cast %parallel_loop3A_377 : i32 to index
          %parallel_loop3A_399 = arith.constant 80 : index
          %parallel_loop3A_400 = tpu.vector_load %arg10[%parallel_loop3A_398, %parallel_loop3A_399] {strides = array<i32>} : memref<408x128xf32, #tpu.memory_space<vmem>>, vector<16xf32>,
          %parallel_loop3A_401 = arith.mulf %parallel_loop3A_400, %parallel_loop3A_358 : vector<16xf32>
          %parallel_loop3A_402 = arith.index_cast %parallel_loop3A_377 : i32 to index
          %parallel_loop3A_403 = arith.constant 96 : index
          %parallel_loop3A_404 = tpu.vector_load %arg10[%parallel_loop3A_402, %parallel_loop3A_403] {strides = array<i32>} : memref<408x128xf32, #tpu.memory_space<vmem>>, vector<16xf32>,
          %parallel_loop3A_405 = arith.mulf %parallel_loop3A_404, %parallel_loop3A_361 : vector<16xf32>
          %parallel_loop3A_406 = arith.index_cast %parallel_loop3A_377 : i32 to index
          %parallel_loop3A_407 = arith.constant 112 : index
          %parallel_loop3A_408 = tpu.vector_load %arg10[%parallel_loop3A_406, %parallel_loop3A_407] {strides = array<i32>} : memref<408x128xf32, #tpu.memory_space<vmem>>, vector<16xf32>,
          %parallel_loop3A_409 = arith.mulf %parallel_loop3A_408, %parallel_loop3A_364 : vector<16xf32>
          %parallel_loop3A_410 = arith.addf %parallel_loop3A_381, %parallel_loop3A_385 : vector<16xf32>
          %parallel_loop3A_411 = arith.addf %parallel_loop3A_389, %parallel_loop3A_393 : vector<16xf32>
          %parallel_loop3A_412 = arith.addf %parallel_loop3A_410, %parallel_loop3A_411 : vector<16xf32>
          %parallel_loop3A_413 = arith.addf %parallel_loop3A_397, %parallel_loop3A_401 : vector<16xf32>
          %parallel_loop3A_414 = arith.addf %parallel_loop3A_405, %parallel_loop3A_409 : vector<16xf32>
          %parallel_loop3A_415 = arith.addf %parallel_loop3A_413, %parallel_loop3A_414 : vector<16xf32>
          %parallel_loop3A_416 = arith.addf %parallel_loop3A_412, %parallel_loop3A_415 : vector<16xf32>
          %parallel_loop3A_417 = arith.constant 16 : i32
          %parallel_loop3A_418 = arith.muli %parallel_loop3A_374, %parallel_loop3A_417 : i32
          %parallel_loop3A_419 = arith.addi %parallel_loop3A_370, %parallel_loop3A_418 : i32
          %parallel_loop3A_420 = arith.index_cast %parallel_loop3A_419 : i32 to index
          %parallel_loop3A_421 = tpu.vector_load %arg11[%parallel_loop3A_420] {strides = array<i32>} : memref<6656xf32, #tpu.memory_space<vmem>>, vector<16xf32>,
          tpu.vector_store %arg11[%parallel_loop3A_420], %parallel_loop3A_416 {strides = array<i32>} : memref<6656xf32, #tpu.memory_space<vmem>>, vector<16xf32>,
        } {sc.loop_unroll_factor = 4 : i64, sc.parallel_access}
      } {sc.loop_unroll_factor = 1 : i64, sc.parallel_access}
      %mul3A_136 = arith.constant 52 : i32
      %mul3A_137 = arith.muli %mul3A_11, %mul3A_136 : i32
      %mul3A_138 = arith.constant 16 : i32
      %mul3A_139 = arith.muli %mul3A_137, %mul3A_138 : i32
      "tpu.region"() ({
        %run_scoped3A = tpu.sem_alloc : memref<!tpu.dma_semaphore, #tpu.memory_space<semaphore_mem>>
        %dma_start3A_140 = tpu.memref_slice %arg6[%mul3A_139] : memref<13631488xf32, #tpu.memory_space<hbm>> -> memref<6656xf32, #tpu.memory_space<hbm>>
        %dma_start3A_141 = tpu.memref_slice %arg6[%mul3A_139] : memref<13631488xf32, #tpu.memory_space<hbm>> -> memref<6656xf32, #tpu.memory_space<hbm>>
        tpu.enqueue_dma source(%arg11 : memref<6656xf32, #tpu.memory_space<vmem>>) target(%dma_start3A_141 : memref<6656xf32, #tpu.memory_space<hbm>>) target_semaphore(%run_scoped3A : memref<!tpu.dma_semaphore, #tpu.memory_space<semaphore_mem>>)
        %dma_wait3A_142 = tpu.memref_slice %arg6[%mul3A_139] : memref<13631488xf32, #tpu.memory_space<hbm>> -> memref<6656xf32, #tpu.memory_space<hbm>>
        %dma_wait3A_143 = tpu.memref_slice %arg6[%mul3A_139] : memref<13631488xf32, #tpu.memory_space<hbm>> -> memref<6656xf32, #tpu.memory_space<hbm>>
        tpu.wait_dma2 semaphore(%run_scoped3A : memref<!tpu.dma_semaphore, #tpu.memory_space<semaphore_mem>>) src(%arg11 : memref<6656xf32, #tpu.memory_space<vmem>>) dst(%dma_wait3A_143 : memref<6656xf32, #tpu.memory_space<hbm>>)
        tpu.yield
      }) : () -> ()
    }
    %scan3A_5 = arith.constant 64 : i32
    return
  }
}

module attributes {stable_mosaic.version = 14 : i64} {
  func.func @_loss_body(%arg0: i32, %arg1: memref<8192x128xf32, #tpu.memory_space<vmem>>, %arg2: memref<1x1xf32, #tpu.memory_space<smem>>) attributes {dimension_semantics = [#tpu.dimension_semantics<arbitrary>], iteration_bounds = array<i64: 13>, scalar_prefetch = 0 : i64, scratch_operands = 0 : i64, tpu.core_type = #tpu.core_type<tc>, window_params = [{transform_indices = @transform_0, window_bounds = array<i64: 8192, 128>}, {transform_indices = @transform_1, window_bounds = array<i64: 1, 1>}]} {
    %get3A = arith.constant 0 : index
    %get3A_0 = arith.constant 0 : index
    %get3A_1 = vector.load %arg1[%get3A, %get3A_0] : memref<8192x128xf32, #tpu.memory_space<vmem>>, vector<8192x128xf32>
    %iota3A = tpu.iota {dimensions = array<i32: 0>} : vector<128x8xi32>
    %jit3A = arith.constant 16 : i32
    %div3A = vector.broadcast %jit3A : i32 to vector<128x8xi32>
    %div3A_2 = arith.divsi %iota3A, %div3A : vector<128x8xi32>
    %sign3A = arith.constant 0 : i32
    %sign3A_3 = vector.broadcast %sign3A : i32 to vector<128x8xi32>
    %sign3A_4 = arith.cmpi sgt, %iota3A, %sign3A_3 : vector<128x8xi32>
    %sign3A_5 = arith.extui %sign3A_4 : vector<128x8xi1> to vector<128x8xi32>
    %sign3A_6 = arith.constant 0 : i32
    %sign3A_7 = vector.broadcast %sign3A_6 : i32 to vector<128x8xi32>
    %sign3A_8 = arith.cmpi slt, %iota3A, %sign3A_7 : vector<128x8xi32>
    %sign3A_9 = arith.extui %sign3A_8 : vector<128x8xi1> to vector<128x8xi32>
    %sign3A_10 = arith.subi %sign3A_5, %sign3A_9 : vector<128x8xi32>
    %sign3A_11 = arith.constant 0 : i32
    %sign3A_12 = arith.cmpi sgt, %jit3A, %sign3A_11 : i32
    %sign3A_13 = arith.extui %sign3A_12 : i1 to i32
    %sign3A_14 = arith.constant 0 : i32
    %sign3A_15 = arith.cmpi slt, %jit3A, %sign3A_14 : i32
    %sign3A_16 = arith.extui %sign3A_15 : i1 to i32
    %sign3A_17 = arith.subi %sign3A_13, %sign3A_16 : i32
    %ne3A = vector.broadcast %sign3A_17 : i32 to vector<128x8xi32>
    %ne3A_18 = arith.cmpi ne, %sign3A_10, %ne3A : vector<128x8xi32>
    %rem3A = vector.broadcast %jit3A : i32 to vector<128x8xi32>
    %rem3A_19 = arith.remsi %iota3A, %rem3A : vector<128x8xi32>
    %ne3A_20 = arith.constant 0 : i32
    %ne3A_21 = vector.broadcast %ne3A_20 : i32 to vector<128x8xi32>
    %ne3A_22 = arith.cmpi ne, %rem3A_19, %ne3A_21 : vector<128x8xi32>
    %and3A = arith.andi %ne3A_18, %ne3A_22 : vector<128x8xi1>
    %sub3A = arith.constant 1 : i32
    %sub3A_23 = vector.broadcast %sub3A : i32 to vector<128x8xi32>
    %sub3A_24 = arith.subi %div3A_2, %sub3A_23 : vector<128x8xi32>
    %select_n3A = arith.select %and3A, %sub3A_24, %div3A_2 : vector<128x8xi1>, vector<128x8xi32>
    %iota3A_25 = tpu.iota {dimensions = array<i32: 1>} : vector<128x8xi32>
    %eq3A = arith.cmpi eq, %select_n3A, %iota3A_25 : vector<128x8xi32>
    %convert_element_type3A = arith.extui %eq3A : vector<128x8xi1> to vector<128x8xi32>
    %convert_element_type3A_26 = arith.sitofp %convert_element_type3A : vector<128x8xi32> to vector<128x8xf32>
    %dot_general3A = arith.constant dense<0.000000e+00> : vector<8192x8xf32>
    %dot_general3A_27 = tpu.matmul %get3A_1, %convert_element_type3A_26, %dot_general3A {dimension_numbers = #tpu.dot_dimension_numbers<[1], [0], [0], [1], [0, 0, 1, 1], [], []>, precision = #tpu.contract_precision<fp32>, transpose_lhs_hint = false} : vector<8192x128xf32>, vector<128x8xf32>, vector<8192x8xf32> -> vector<8192x8xf32>
    %iota3A_28 = tpu.iota {dimensions = array<i32: 0>} : vector<8192x8xi32>
    %mul3A = arith.constant 8192 : i32
    %mul3A_29 = arith.muli %arg0, %mul3A : i32
    %add3A = vector.broadcast %mul3A_29 : i32 to vector<8192x8xi32>
    %add3A_30 = arith.addi %iota3A_28, %add3A : vector<8192x8xi32>
    %iota3A_31 = tpu.iota {dimensions = array<i32: 1>} : vector<8192x8xi32>
    %mul3A_32 = arith.constant 8 : i32
    %mul3A_33 = vector.broadcast %mul3A_32 : i32 to vector<8192x8xi32>
    %mul3A_34 = arith.muli %add3A_30, %mul3A_33 : vector<8192x8xi32>
    %add3A_35 = arith.addi %mul3A_34, %iota3A_31 : vector<8192x8xi32>
    %jit3A_36 = arith.constant 52 : i32
    %eq3A_37 = arith.constant 0 : i32
    %eq3A_38 = arith.cmpi eq, %jit3A_36, %eq3A_37 : i32
    %jit3A_39 = arith.constant 1 : i32
    %select_n3A_40 = arith.select %eq3A_38, %jit3A_39, %jit3A_36 : i32
    %rem3A_41 = vector.broadcast %select_n3A_40 : i32 to vector<8192x8xi32>
    %rem3A_42 = arith.remsi %add3A_35, %rem3A_41 : vector<8192x8xi32>
    %ne3A_43 = arith.constant 0 : i32
    %ne3A_44 = vector.broadcast %ne3A_43 : i32 to vector<8192x8xi32>
    %ne3A_45 = arith.cmpi ne, %rem3A_42, %ne3A_44 : vector<8192x8xi32>
    %lt3A = arith.constant 0 : i32
    %lt3A_46 = vector.broadcast %lt3A : i32 to vector<8192x8xi32>
    %lt3A_47 = arith.cmpi slt, %rem3A_42, %lt3A_46 : vector<8192x8xi32>
    %lt3A_48 = arith.constant 0 : i32
    %lt3A_49 = arith.cmpi slt, %select_n3A_40, %lt3A_48 : i32
    %ne3A_50 = vector.broadcast %lt3A_49 : i1 to vector<8192x8xi1>
    %ne3A_51 = vector.broadcast %ne3A_50 : vector<8192x8xi1> to vector<8192x8xi1>
    %ne3A_52 = arith.xori %lt3A_47, %ne3A_51 : vector<8192x8xi1>
    %and3A_53 = arith.andi %ne3A_52, %ne3A_45 : vector<8192x8xi1>
    %add3A_54 = vector.broadcast %select_n3A_40 : i32 to vector<8192x8xi32>
    %add3A_55 = arith.addi %rem3A_42, %add3A_54 : vector<8192x8xi32>
    %select_n3A_56 = arith.select %and3A_53, %add3A_55, %rem3A_42 : vector<8192x8xi1>, vector<8192x8xi32>
    %lt3A_57 = arith.constant 50 : i32
    %lt3A_58 = vector.broadcast %lt3A_57 : i32 to vector<8192x8xi32>
    %lt3A_59 = arith.cmpi slt, %select_n3A_56, %lt3A_58 : vector<8192x8xi32>
    %max3A = arith.constant 0.000000e+00 : f32
    %max3A_60 = vector.broadcast %max3A : f32 to vector<8192x8xf32>
    %max3A_61 = arith.maximumf %dot_general3A_27, %max3A_60 : vector<8192x8xf32>
    %abs3A = math.absf %dot_general3A_27 : vector<8192x8xf32>
    %neg3A = arith.constant 0.000000e+00 : f32
    %neg3A_62 = vector.broadcast %neg3A : f32 to vector<8192x8xf32>
    %neg3A_63 = arith.subf %neg3A_62, %abs3A : vector<8192x8xf32>
    %exp3A = math.exp %neg3A_63 : vector<8192x8xf32>
    %log1p3A = math.log1p %exp3A : vector<8192x8xf32>
    %add3A_64 = arith.addf %max3A_61, %log1p3A : vector<8192x8xf32>
    %eq3A_65 = arith.constant 50 : i32
    %eq3A_66 = vector.broadcast %eq3A_65 : i32 to vector<8192x8xi32>
    %eq3A_67 = arith.cmpi eq, %select_n3A_56, %eq3A_66 : vector<8192x8xi32>
    %neg3A_68 = arith.constant 0.000000e+00 : f32
    %neg3A_69 = vector.broadcast %neg3A_68 : f32 to vector<8192x8xf32>
    %neg3A_70 = arith.subf %neg3A_69, %dot_general3A_27 : vector<8192x8xf32>
    %max3A_71 = arith.constant 0.000000e+00 : f32
    %max3A_72 = vector.broadcast %max3A_71 : f32 to vector<8192x8xf32>
    %max3A_73 = arith.maximumf %neg3A_70, %max3A_72 : vector<8192x8xf32>
    %abs3A_74 = math.absf %neg3A_70 : vector<8192x8xf32>
    %neg3A_75 = arith.constant 0.000000e+00 : f32
    %neg3A_76 = vector.broadcast %neg3A_75 : f32 to vector<8192x8xf32>
    %neg3A_77 = arith.subf %neg3A_76, %abs3A_74 : vector<8192x8xf32>
    %exp3A_78 = math.exp %neg3A_77 : vector<8192x8xf32>
    %log1p3A_79 = math.log1p %exp3A_78 : vector<8192x8xf32>
    %add3A_80 = arith.addf %max3A_73, %log1p3A_79 : vector<8192x8xf32>
    %jit3A_81 = arith.constant 0.000000e+00 : f32
    %broadcast_in_dim3A = vector.broadcast %jit3A_81 : f32 to vector<8192x8xf32>
    %select_n3A_82 = arith.select %eq3A_67, %add3A_80, %broadcast_in_dim3A : vector<8192x8xi1>, vector<8192x8xf32>
    %select_n3A_83 = arith.select %lt3A_59, %add3A_64, %select_n3A_82 : vector<8192x8xi1>, vector<8192x8xf32>
    %eq3A_84 = arith.constant 0 : i32
    %eq3A_85 = arith.cmpi eq, %arg0, %eq3A_84 : i32
    %convert_element_type3A_86 = arith.extui %eq3A_85 : i1 to i32
    %cond3A = arith.constant 0 : i32
    %cond3A_87 = arith.cmpi ne, %convert_element_type3A_86, %cond3A : i32
    scf.if %cond3A_87 {
      %swap3A_100 = arith.constant 0.000000e+00 : f32
      %swap3A_101 = arith.constant 0 : index
      %swap3A_102 = arith.constant 0 : index
      %swap3A_103 = memref.load %arg2[%swap3A_101, %swap3A_102] : memref<1x1xf32, #tpu.memory_space<smem>>
      memref.store %swap3A_100, %arg2[%swap3A_101, %swap3A_102] : memref<1x1xf32, #tpu.memory_space<smem>>
    } else {
    }
    %get3A_88 = arith.constant 0 : index
    %get3A_89 = arith.constant 0 : index
    %get3A_90 = memref.load %arg2[%get3A_88, %get3A_89] : memref<1x1xf32, #tpu.memory_space<smem>>
    %reduce_sum3A = vector.shape_cast %select_n3A_83 : vector<8192x8xf32> to vector<1x8192x8xf32>
    %reduce_sum3A_91 = arith.constant dense<0.000000e+00> : vector<1xf32>
    %reduce_sum3A_92 = vector.multi_reduction <add>, %reduce_sum3A, %reduce_sum3A_91 [1, 2] : vector<1x8192x8xf32> to vector<1xf32>
    %reduce_sum3A_93 = vector.shape_cast %reduce_sum3A_92 : vector<1xf32> to vector<1x1x1xf32>
    %reduce_sum3A_94 = vector.extract %reduce_sum3A_93[0, 0, 0] : f32 from vector<1x1x1xf32>
    %mul3A_95 = arith.constant 6.10351563E-5 : f32
    %mul3A_96 = arith.mulf %reduce_sum3A_94, %mul3A_95 : f32
    %add3A_97 = arith.addf %get3A_90, %mul3A_96 : f32
    %swap3A = arith.constant 0 : index
    %swap3A_98 = arith.constant 0 : index
    %swap3A_99 = memref.load %arg2[%swap3A, %swap3A_98] : memref<1x1xf32, #tpu.memory_space<smem>>
    memref.store %add3A_97, %arg2[%swap3A, %swap3A_98] : memref<1x1xf32, #tpu.memory_space<smem>>
    return
  }
  func.func @transform_0(%arg0: i32) -> (i32, i32) {
    %c0_i32 = arith.constant 0 : i32
    %c0_i32_0 = arith.constant 0 : i32
    return %arg0, %c0_i32 : i32, i32
  }
  func.func @transform_1(%arg0: i32) -> (i32, i32) {
    %c0_i32 = arith.constant 0 : i32
    %c0_i32_0 = arith.constant 0 : i32
    %c0_i32_1 = arith.constant 0 : i32
    return %c0_i32, %c0_i32_0 : i32, i32
  }
}

</mosaic_0001>

<sc_bundles>
// kernel: kernel.4.cloned.1.call-start
scs
__scs_entry_jumppad:
0x0: {  	(pc) =	sbr.rel $0x88, $3  }
0x1: {  	(tag) =	ssettag $0x0;
	lr =	simm.s32 $0x1  }
0x2: {  	[smem:$0x3F9C] =	sst lr;
	_ =	strace $0xD0000000  }
0x3: {  	_ = 	snop  }
0x4: {  	_ = 	snop  }
0x5: {  	_ = 	snop  }
0x6: {  	_ = 	snop  }
0x7: {  	_ = 	snop  }
__scs_overlays_trampoline_lowered:
0x8: {  	[smem:$0x3FAB] =	sst s0  }
0x9: {  	[smem:$0x3FAC] =	sst s1  }
0xa: {  	[smem:$0x3FAD] =	sst s2  }
0xb: {  	[smem:$0x3FAE] =	sst s3  }
0xc: {  	[smem:$0x3FAF] =	sst s4  }
0xd: {  	[smem:$0x3FB0] =	sst s5  }
0xe: {  	[smem:$0x3FB1] =	sst s6  }
0xf: {  	[smem:$0x3FB2] =	sst s7  }
0x10: {  	[smem:$0x3FB3] =	sst s8  }
0x11: {  	[smem:$0x3FB4] =	sst s9;
	s0 =	simm.s32 @!p0 $0x0  }
0x12: {  	s1 =	sld [smem:$0x3F9A];
	s0 =	simm.s32 @p0 $0x1  }
0x13: {  	[smem:$0x3FB5] =	sst s0;
	s0 =	simm.s32 @!p1 $0x0  }
0x14: {  	s2 =	sld [smem:$0x3F99];
	s0 =	simm.s32 @p1 $0x1  }
0x15: {  	[smem:$0x3FB6] =	sst s0;
	s0 =	simm.s32 @!p2 $0x0  }
0x16: {  	s3 =	sld [smem:$0x3FDB];
	s0 =	simm.s32 @p2 $0x1  }
0x17: {  	s4 =	simm.s32 $0x1BF5;
	[smem:$0x3FB8] =	sst s0  }
0x18: {  	s0 =	sld [smem:$0x3F9B];
	_ =	swait.ge [sflag:s4], $0x0  }
0x19: {  	s7 =	sld [smem:$0x3F9C]  }
0x1a: {  	s8 =	sadd.s32 $0xFFFFE003, lr  }
0x1b: {  	s9 =	sadd.s32 $0xFFFFFEF7, lr;
	s5 =	simm.s32 $0xFFFFFFFF;
	p2 =	slt.u32 s8, $0xFFFFF086  }
0x1c: {  	p1 =	slt.u32 s9, $0xF7A;
	s5 =	simm.s32 @!p2 $0x0  }
0x1d: {  	s5 =	simm.s32 @p1 $0x1;
	p0 =	seq.s32 s7, s2  }
0x1e: {  	s7 =	smul.u32 @!p0 $0xF7A, s2;
	p2 =	seq.s32 @!p0 s5, $0x0  }
0x1f: {  	s9 =	smul.u32 $0xF7A, s1;
	s8 =	simm.s32 @!p0 $0x1BF5;
	p2 =	por !p2, p0  }
0x20: {  	[sflag:s8] =	ssyncset.s32 @!p0 $0xFFFFF086;
	s6 =	sadd.s32 @!p0 s3, s7;
	s7 =	simm.s32 @!p0 $0x108  }
0x21: {  	s3 =	sadd.s32 s3, s9;
	s6 =	sadd.s32 @!p0 $0x88, s6;
	s7 =	simm.s32 @p2 $0x1082  }
0x22: {  	[simem:s7], [sflag:s8] =	dma.local @!p0 [hbm:s6], $0xF7A  }
0x23: {  	s9 =	sor.u32 $0xD0000000, s2;
	s6 =	simm.s32 $0x108;
	_ =	swait.ge @!p0 [sflag:s8], $0x0  }
0x24: {  	s3 =	sadd.s32 $0x88, s3;
	s6 =	simm.s32 @!p1 $0x1082;
	[sflag:s4] =	ssyncset.s32 $0xFFFFF086  }
0x25: {  	[simem:s6], [sflag:s4] =	dma.local [hbm:s3], $0xF7A  }
0x26: {  	[smem:$0x3F9C] =	sst s1;
	(tag) =	ssettag s2;
	_ =	strace s9  }
0x27: {  	s1 =	sld [smem:$0x3FAC]  }
0x28: {  	s2 =	sld [smem:$0x3FAD]  }
0x29: {  	s4 =	sld [smem:$0x3FAF]  }
0x2a: {  	p0 =	seq.s32 s5, $0x0;
	s5 =	sld [smem:$0x3FB0]  }
0x2b: {  	s6 =	sld [smem:$0x3FB1]  }
0x2c: {  	s7 =	sld [smem:$0x3FB2]  }
0x2d: {  	s3 =	simm.s32 $0x108;
	s8 =	sld [smem:$0x3FB3]  }
0x2e: {  	s3 =	simm.s32 @!p0 $0x1082;
	s9 =	sld [smem:$0x3FB4]  }
0x2f: {  	lr =	sadd.s32 s0, s3;
	s0 =	sld [smem:$0x3FAB]  }
0x30: {  	s3 =	sld [smem:$0x3FAE]  }
0x31: {  	[smem:$0x3FB7] =	sst s10  }
0x32: {  	s10 =	sld [smem:$0x3FB5];
	_ =	sdelay $0x3  }
0x33: {  	p0 =	seq.s32 s10, $0x1;
	s10 =	sld [smem:$0x3FB7];
	_ =	sdelay $0x3  }
0x34: {  	[smem:$0x3FB7] =	sst s10  }
0x35: {  	s10 =	sld [smem:$0x3FB6];
	_ =	sdelay $0x3  }
0x36: {  	p1 =	seq.s32 s10, $0x1;
	s10 =	sld [smem:$0x3FB7];
	_ =	sdelay $0x3  }
0x37: {  	[smem:$0x3FB7] =	sst s10  }
0x38: {  	s10 =	sld [smem:$0x3FB8]  }
0x39: {  	_ = 	snop;
	(pc) =	sbr.ind lr, $3  }
0x3a: {  	_ = 	snop  }
0x3b: {  	_ = 	snop  }
0x3c: {  	p2 =	seq.s32 s10, $0x1;
	s10 =	sld [smem:$0x3FB7]  }
0x3d: {  	_ =	shalt  }
0x3e: {  	_ =	shalt  }
0x3f: {  	_ =	shalt  }
0x40: {  	_ =	shalt  }
0x41: {  	_ =	shalt  }
0x42: {  	_ =	shalt  }
0x43: {  	_ =	shalt  }
0x44: {  	_ =	shalt  }
0x45: {  	_ =	shalt  }
0x46: {  	_ =	shalt  }
0x47: {  	_ =	shalt  }
0x48: {  	_ =	shalt  }
0x49: {  	_ =	shalt  }
0x4a: {  	_ =	shalt  }
0x4b: {  	_ =	shalt  }
0x4c: {  	_ =	shalt  }
0x4d: {  	_ =	shalt  }
0x4e: {  	_ =	shalt  }
0x4f: {  	_ =	shalt  }
0x50: {  	_ =	shalt  }
0x51: {  	_ =	shalt  }
0x52: {  	_ =	shalt  }
0x53: {  	_ =	shalt  }
0x54: {  	_ =	shalt  }
0x55: {  	_ =	shalt  }
0x56: {  	_ =	shalt  }
0x57: {  	_ =	shalt  }
0x58: {  	_ =	shalt  }
0x59: {  	_ =	shalt  }
0x5a: {  	_ =	shalt  }
0x5b: {  	_ =	shalt  }
0x5c: {  	_ =	shalt  }
0x5d: {  	_ =	shalt  }
0x5e: {  	_ =	shalt  }
0x5f: {  	_ =	shalt  }
0x60: {  	_ =	shalt  }
0x61: {  	_ =	shalt  }
0x62: {  	_ =	shalt  }
0x63: {  	_ =	shalt  }
0x64: {  	_ =	shalt  }
0x65: {  	_ =	shalt  }
0x66: {  	_ =	shalt  }
0x67: {  	_ =	shalt  }
0x68: {  	_ =	shalt  }
0x69: {  	_ =	shalt  }
0x6a: {  	_ =	shalt  }
0x6b: {  	_ =	shalt  }
0x6c: {  	_ =	shalt  }
0x6d: {  	_ =	shalt  }
0x6e: {  	_ =	shalt  }
0x6f: {  	_ =	shalt  }
0x70: {  	_ =	shalt  }
0x71: {  	_ =	shalt  }
0x72: {  	_ =	shalt  }
0x73: {  	_ =	shalt  }
0x74: {  	_ =	shalt  }
0x75: {  	_ =	shalt  }
0x76: {  	_ =	shalt  }
0x77: {  	_ =	shalt  }
0x78: {  	_ =	shalt  }
0x79: {  	_ =	shalt  }
0x7a: {  	_ =	shalt  }
0x7b: {  	_ =	shalt  }
0x7c: {  	_ =	shalt  }
0x7d: {  	_ =	shalt  }
0x7e: {  	_ =	shalt  }
0x7f: {  	_ =	shalt  }
0x80: {  	_ =	shalt  }
0x81: {  	_ =	shalt  }
0x82: {  	_ =	shalt  }
0x83: {  	_ =	shalt  }
0x84: {  	_ =	shalt  }
0x85: {  	_ =	shalt  }
0x86: {  	_ =	shalt  }
0x87: {  	_ =	shalt  }
.Lfunc_end0:
.L_simem_size_0:
called_computation_lowered:
.L_overlay_start_0:
0x88: {  	s2 =	sld [smem:$0x3FD9]  }
0x89: {  	s3 =	sld [smem:$0x3FFE];
	_ =	sdelay $0x1  }
0x8a: {  	s1 =	srdreg.scid  }
0x8b: {  	s0 =	sand.u32 $0x1, s1  }
0x8c: {  	s17 =	sshll.u32 s0, $0xA;
	s2 =	sadd.s32 s3, s2  }
0x8d: {  	s2 =	sadd.s32 s2, s17  }
0x8e: {  	[smem:$0x3FC3] =	sst s2  }
0x8f: {  	_ = 	snop  }
0x90: {  	s2 =	sld [smem:$0x3FC6]  }
0x91: {  	s18 =	sld [smem:$0x3FC5];
	(tm) =	ssettm $0x1  }
0x92: {  	s4 =	sld [smem:$0x3FFB];
	_ =	sdelay $0x3  }
0x93: {  	_ =	strace s4  }
0x94: {  	s4 =	sld [smem:$0x3FFC];
	_ =	sdelay $0x3  }
0x95: {  	_ =	strace s4  }
0x96: {  	s4 =	sld [smem:$0x3FFD];
	_ =	sdelay $0x3  }
0x97: {  	_ =	strace s4  }
0x98: {  	_ =	strace $0x8FFFFFFF  }
0x99: {  	s19 =	sld [smem:$0x3FDB];
	_ =	sdelay $0x1  }
0x9a: {  	s5 =	simm.s32 $_scs_section_size  }
0x9b: {  	s6 =	simm.s32 $_size__tile_overlayer_lowered;
	s7 =	simm.s32 $_tile_overlayer_lowered  }
0x9c: {  	s22 =	simm.s32 $0x1BFF;
	s21 =	sshll.u32 s7, $0x1;
	s4 =	sadd.s32 s5, s19  }
0x9d: {  	s8 =	simm.s32 $0x0;
	s20 =	sshll.u32 s6, $0x1;
	s6 =	sadd.s32 s21, s4  }
0x9e: {  	[timem:s8], [sflag:s22] =	dma.local [hbm:s6], s20  }
0x9f: {  	_ =	swait.ge [sflag:s22], s20  }
0xa0: {  	s5 =	ssub.s32 $0x0, s20;
	[sflag:s22] =	ssyncset.done $0x0  }
0xa1: {  	[sflag:s22] =	ssyncadd.s32 s5;
	_ =	sdelay $0x1  }
0xa2: {  	s23 =	simm.s32 $0x1B8B  }
0xa3: {  	_ =	swait.ge [sflag:s23], $0x1  }
0xa4: {  	[sflag:s23] =	ssyncset.done $0x0  }
0xa5: {  	s25 =	simm.s32 $0x1B8E;
	s24 =	sld [smem:$0x3FFE];
	[sflag:s23] =	ssyncadd.s32 $0xFFFFFFFF  }
0xa6: {  	s26 =	simm.s32 $execute0_lowered;
	[smem:$0x3FD2] =	sst s25  }
0xa7: {  	s6 =	sshll.u32 s26, $0x1;
	_ =	strace $0x80000046;
	[dreg:$0x1] =	wrdreg $0xFFFFFFFF  }
0xa8: {  	s28 =	simm.s32 $_size_execute0_lowered;
	s4 =	sadd.s32 s4, s6;
	[dreg:$0x0] =	wrdreg $0x0  }
0xa9: {  	s6 =	sshll.u32 s28, $0x1;
	[dreg:$0x2] =	wrdreg s4  }
0xaa: {  	[dreg:$0x3] =	wrdreg s6  }
0xab: {  	[dreg:$0x4] =	wrdreg $0xC0  }
0xac: {  	_ =	task [dreg:s8], $0x5FFFF  }
0xad: {  	[dreg:$0x1] =	wrdreg $0xFFFFFFFF  }
0xae: {  	[dreg:$0x0] =	wrdreg $0x60  }
0xaf: {  	[dreg:$0x2] =	wrdreg s24  }
0xb0: {  	[dreg:$0x3] =	wrdreg s2  }
0xb1: {  	[dreg:$0x4] =	wrdreg s18  }
0xb2: {  	[dreg:$0x5] =	wrdreg $0x9  }
0xb3: {  	_ =	task.clear_ibuf [dreg:s8], $0x6FFFF;
	_ =	strace $0x90000046  }
0xb4: {  	s29 =	simm.s32 $0x9;
	_ =	strace $0x80000048  }
0xb5: {  	_ =	swait.ge [sflag:s29], $0x1  }
0xb6: {  	[sflag:s29] =	ssyncadd.s32 $0xFFFFFFFF  }
0xb7: {  	_ =	strace $0x90000048  }
0xb8: {  	_ =	sfence  }
0xb9: {  	s30 =	sld [smem:$0x0];
	_ =	sdelay $0x2  }
0xba: {  	s31 =	sshll.u32 s1, $0xD;
	s1 =	sshrl.u32 s1, $0x2  }
0xbb: {  	s3 =	sand.u32 $0x4000, s31;
	s1 =	sadd.s32 s1, s30  }
0xbc: {  	s0 =	sor.u32 s3, s0;
	s1 =	sshll.u32 s1, $0x11  }
0xbd: {  	s0 =	sor.u32 s1, s0  }
0xbe: {  	s0 =	sadd.s32 $0x8F2B, s0  }
0xbf: {  	[sflag:s0] =	ssyncadd.remote.s32 $0x1  }
0xc0: {  	_ =	sfence.sel $0xFFFF  }
0xc1: {  	[dreg:$0x0] =	wrdreg $0xFFFFFFFF;
	(pc) =	sbr.abs _section_cstart, $3  }
0xc2: {  	[dreg:$0x1] =	wrdreg $0xFFFFFFFF  }
0xc3: {  	_ =	task.clear_ibuf [dreg:s8], $0x2FFFF;
	_ =	strace $0x9FFFFFFF  }
0xc4: {  	(tm) =	ssettm $0x7FFFFFFF  }
0xc5: {  	_ =	shalt  }
tec
execute0_lowered:
.L_overlay_start_1:
0x0: {  	(tag) =	ssettag $0x1  }
0x1: {  	s0 =	rddreg [dreg:$0x0]  }
0x2: {  	s1 =	rddreg [dreg:$0x1]  }
0x3: {  	s2 =	rddreg [dreg:$0x2];
	s3 =	simm.s32 $0x0;
	s30 =	srdreg.scid  }
0x4: {  	s7 =	stileid.u32;
	s10 =	simm.s32 $0x2;
	s11 =	simm.s32 $0x100  }
0x5: {  	s12 =	simm.s32 $0x50;
	s15 =	simm.s32 $0x2B00;
	s16 =	simm.s32 $0x66  }
0x6: {  	s17 =	simm.s32 $0x5300;
	s18 =	simm.s32 $0x180;
	s19 =	simm.s32 $0x8600  }
0x7: {  	s20 =	simm.s32 $0x200;
	s21 =	simm.s32 $0xB900;
	s22 =	simm.s32 $0x280  }
0x8: {  	s23 =	simm.s32 $0xEC00;
	[smem:$0x7FF] =	sst s3;
	s3 =	sand.u32 $0x1, s30  }
0x9: {  	s24 =	simm.s32 $0x1;
	s25 =	simm.s32 $0x11F00;
	s4 =	ssub.s32 $0x2, s3  }
0xa: {  	s5 =	sadd.s32 $0x20600, s0;
	s6 =	sadd.s32 $0x600, s0;
	s8 =	sshrl.u32 s4, $0x1  }
0xb: {  	s9 =	sshll.u32 s7, $0x7;
	s7 =	sadd.s32 $0x30600, s0;
	s31 =	ssub.s32 s4, s8  }
0xc: {  	_ =	strace $0x80000047;
	s3 =	sshll.u32 s3, $0x6;
	s0 =	smax.u32 s31, $0x1  }
0xd: {  	s8 =	sor.u32 s3, s9;
	s3 =	simm.s32 $0x0;
	[dreg:$0x4] =	wrdreg s0  }
.LBB2_1:
0xe: {  	[dreg:$0x5] =	wrdreg s3;
	s28 =	simm.s32 $0x0  }
.LBB2_2:
0xf: {  	s29 =	sadd.s32 s8, s28;
	s0 =	sshll.u32 s28, $0x5  }
0x10: {  	s3 =	sshll.u32 s29, $0x5;
	s0 =	sand.u32 $0x60, s0  }
0x11: {  	s3 =	sand.u32 $0xFF80, s3;
	s0 =	sadd.s32 s5, s0  }
0x12: {  	s30 =	simm.s32 $0x0;
	s9 =	sshll.u32 s28, $0x6;
	s0 =	sadd.s32 s3, s0  }
0x13: {  	[tilespmem:s30], [sflag:$0x2] =	stream.linear.gather [hbm4b:s0+s30], $0x100, $0x38;
	[tilespmem:$0x13900] =	vst v63  }
0x14: {  	s13 =	sshll.u32 s29, $0x6;
	s0 =	sand.u32 $0x40, s9;
	_ =	swait.ge [sflag:s10], $0x100  }
0x15: {  	s3 =	sand.u32 $0x1FF80, s13;
	s0 =	sadd.s32 s6, s0;
	[sflag:s10] =	ssyncset.done $0x0  }
0x16: {  	s0 =	sadd.s32 s3, s0;
	[sflag:s10] =	ssyncadd.s32 $0xFFFFFF00  }
0x17: {  	[tilespmem:s11], [sflag:$0x2] =	stream.linear.gather [hbm4b:s0+s30], $0x200, $0x38;
	[tilespmem:$0x13900] =	vst v63  }
0x18: {  	_ =	swait.ge [sflag:s10], $0x200  }
0x19: {  	[sflag:s10] =	ssyncset.done $0x0  }
0x1a: {  	s14 =	simm.s32 $0x300;
	[sflag:s10] =	ssyncadd.s32 $0xFFFFFE00  }
0x1b: {  	[tilespmem:s14], [sflag:$0x1] =	stream.indirect.gather [hbm4b:s1+s12], $0x80, s30, s12, $0xb8;
	[tilespmem:$0x13900] =	vst v63  }
0x1c: {  	s26 =	simm.s32 $0x80  }
0x1d: {  	[tilespmem:s15], [sflag:$0x1] =	stream.indirect.gather [hbm4b:s1+s12], $0x80, s26, s12, $0xb8;
	[tilespmem:$0x13900] =	vst v63  }
0x1e: {  	_ = 	snop  }
0x1f: {  	[tilespmem:s17], [sflag:$0x1] =	stream.indirect.gather [hbm4b:s2+s16], $0x80, s11, s16, $0xb8;
	[tilespmem:$0x13900] =	vst v63  }
0x20: {  	_ = 	snop  }
0x21: {  	[tilespmem:s19], [sflag:$0x1] =	stream.indirect.gather [hbm4b:s2+s16], $0x80, s18, s16, $0xb8;
	[tilespmem:$0x13900] =	vst v63  }
0x22: {  	_ = 	snop  }
0x23: {  	[tilespmem:s21], [sflag:$0x1] =	stream.indirect.gather [hbm4b:s2+s16], $0x80, s20, s16, $0xb8;
	[tilespmem:$0x13900] =	vst v63  }
0x24: {  	_ = 	snop  }
0x25: {  	[tilespmem:s23], [sflag:$0x1] =	stream.indirect.gather [hbm4b:s2+s16], $0x80, s22, s16, $0xb8;
	[tilespmem:$0x13900] =	vst v63  }
0x26: {  	_ =	swait.ge [sflag:s24], $0x2800  }
0x27: {  	[sflag:s24] =	ssyncset.done $0x0  }
0x28: {  	[sflag:s24] =	ssyncadd.s32 $0xFFFFD800  }
0x29: {  	_ =	swait.ge [sflag:s24], $0x2800  }
0x2a: {  	[sflag:s24] =	ssyncset.done $0x0  }
0x2b: {  	[sflag:s24] =	ssyncadd.s32 $0xFFFFD800  }
0x2c: {  	_ =	swait.ge [sflag:s24], $0x3300  }
0x2d: {  	[sflag:s24] =	ssyncset.done $0x0  }
0x2e: {  	[sflag:s24] =	ssyncadd.s32 $0xFFFFCD00  }
0x2f: {  	_ =	swait.ge [sflag:s24], $0x3300  }
0x30: {  	[sflag:s24] =	ssyncset.done $0x0  }
0x31: {  	[sflag:s24] =	ssyncadd.s32 $0xFFFFCD00  }
0x32: {  	_ =	swait.ge [sflag:s24], $0x3300  }
0x33: {  	[sflag:s24] =	ssyncset.done $0x0  }
0x34: {  	[sflag:s24] =	ssyncadd.s32 $0xFFFFCD00  }
0x35: {  	_ =	swait.ge [sflag:s24], $0x3300  }
0x36: {  	s31 =	simm.s32 $0x480;
	s4 =	simm.s32 $0x3;
	[sflag:s24] =	ssyncset.done $0x0  }
0x37: {  	s9 =	simm.s32 $0x11F20;
	s0 =	simm.s32 $0x53C0;
	[sflag:s24] =	ssyncadd.s32 $0xFFFFCD00  }
.LBB2_3:
0x38: {  	v8 =	vld [tilespmem:s31+$0x100]  }
0x39: {  	v11 =	vld [tilespmem:s31+$0x110]  }
0x3a: {  	v14 =	vld [tilespmem:s31+$0x120]  }
0x3b: {  	v15 =	vld [tilespmem:s31+$0x130]  }
0x3c: {  	v0 =	vld [tilespmem:s31+$0x140]  }
0x3d: {  	v1 =	vld [tilespmem:s31+$0x150]  }
0x3e: {  	v16 =	vld [tilespmem:s31+$0x80]  }
0x3f: {  	v17 =	vld [tilespmem:s31+$0x90]  }
0x40: {  	v18 =	vld [tilespmem:s31+$0xA0]  }
0x41: {  	v19 =	vld [tilespmem:s31+$0xB0]  }
0x42: {  	v2 =	vld [tilespmem:s31+$0xC0]  }
0x43: {  	v3 =	vld [tilespmem:s31+$0xD0]  }
0x44: {  	v20 =	vld [tilespmem:s31+$0x0]  }
0x45: {  	v21 =	vld [tilespmem:s31+$0x10]  }
0x46: {  	v22 =	vld [tilespmem:s31+$0x20]  }
0x47: {  	v23 =	vld [tilespmem:s31+$0x30]  }
0x48: {  	v24 =	vld [tilespmem:s31+$0xFFFFFF80]  }
0x49: {  	v25 =	vld [tilespmem:s31+$0xFFFFFF90]  }
0x4a: {  	v26 =	vld [tilespmem:s31+$0xFFFFFF00]  }
0x4b: {  	v27 =	vld [tilespmem:s31+$0xFFFFFF10]  }
0x4c: {  	v28 =	vld [tilespmem:s31+$0xFFFFFF20]  }
0x4d: {  	v29 =	vld [tilespmem:s31+$0xFFFFFF30]  }
0x4e: {  	s3 =	smul.u32 $0x2800, s30;
	v30 =	vld [tilespmem:s31+$0xFFFFFFA0]  }
0x4f: {  	v61 =	vld [tilespmem:s31+$0xFFFFFF50]  }
0x50: {  	v63 =	vld [tilespmem:s31+$0xFFFFFF70];
	s26 =	sshra.s32 s3, $0x2  }
0x51: {  	v4 =	vld [tilespmem:s26+$0x300]  }
0x52: {  	v5 =	vld [tilespmem:s26+$0x310]  }
0x53: {  	v6 =	vld [tilespmem:s26+$0x320]  }
0x54: {  	v7 =	vld [tilespmem:s26+$0x330]  }
0x55: {  	v10 =	vld [tilespmem:s26+$0x350]  }
0x56: {  	v13 =	vld [tilespmem:s26+$0x370]  }
0x57: {  	v31 =	vld [tilespmem:s31+$0xFFFFFFB0]  }
0x58: {  	v32 =	vld [tilespmem:s31+$0x40]  }
0x59: {  	v57 =	vld [tilespmem:s31+$0x50];
	v4 =	vadd.f32 v26, v4;
	v5 =	vadd.f32 v27, v5  }
0x5a: {  	v58 =	vld [tilespmem:s31+$0xFFFFFFC0];
	v6 =	vadd.f32 v28, v6;
	v7 =	vadd.f32 v29, v7  }
0x5b: {  	v59 =	vld [tilespmem:s31+$0xFFFFFFD0];
	v10 =	vadd.f32 v61, v10;
	v13 =	vadd.f32 v63, v13  }
0x5c: {  	v60 =	vld [tilespmem:s31+$0xFFFFFF40];
	v4 =	vadd.f32 v24, v4;
	v5 =	vadd.f32 v25, v5  }
0x5d: {  	v62 =	vld [tilespmem:s31+$0xFFFFFF60];
	v6 =	vadd.f32 v30, v6;
	v7 =	vadd.f32 v31, v7  }
0x5e: {  	v9 =	vld [tilespmem:s26+$0x340];
	v4 =	vadd.f32 v20, v4;
	v5 =	vadd.f32 v21, v5  }
0x5f: {  	v12 =	vld [tilespmem:s26+$0x360];
	v6 =	vadd.f32 v22, v6;
	v7 =	vadd.f32 v23, v7  }
0x60: {  	v4 =	vadd.f32 v16, v4;
	v5 =	vadd.f32 v17, v5;
	v16 =	vld [tilespmem:s31+$0xFFFFFFE0]  }
0x61: {  	v6 =	vadd.f32 v18, v6;
	v7 =	vadd.f32 v19, v7;
	v17 =	vld [tilespmem:s31+$0xFFFFFFF0]  }
0x62: {  	v4 =	vadd.f32 v8, v4;
	v5 =	vadd.f32 v11, v5;
	v8 =	vld [tilespmem:s31+$0x60]  }
0x63: {  	v6 =	vadd.f32 v14, v6;
	v14 =	vadd.f32 v60, v9;
	v11 =	vld [tilespmem:s31+$0x70]  }
0x64: {  	v7 =	vadd.f32 v15, v7;
	v15 =	vadd.f32 v62, v12;
	v9 =	vld [tilespmem:s31+$0xE0]  }
0x65: {  	v19 =	vadd.f32 v59, v10;
	v12 =	vld [tilespmem:s31+$0xF0];
	v18 =	vadd.f32 v58, v14  }
0x66: {  	v10 =	vld [tilespmem:s31+$0x160];
	v14 =	vadd.f32 v16, v15;
	v15 =	vadd.f32 v17, v13  }
0x67: {  	s13 =	sadd.s32 $0x280, s31;
	s3 =	simm.s32 $0x1;
	v17 =	vadd.f32 v57, v19;
	v13 =	vld [tilespmem:s31+$0x170];
	v16 =	vadd.f32 v32, v18  }
.LBB2_4:
0x68: {  	v18 =	vld [tilespmem:s13+$0x100];
	v8 =	vadd.f32 v8, v14;
	v11 =	vadd.f32 v11, v15  }
0x69: {  	v14 =	vld [tilespmem:s13+$0x110];
	v2 =	vadd.f32 v2, v16;
	v3 =	vadd.f32 v3, v17  }
0x6a: {  	v15 =	vld [tilespmem:s13+$0x120];
	v8 =	vadd.f32 v9, v8;
	v9 =	vadd.f32 v12, v11  }
0x6b: {  	v11 =	vld [tilespmem:s13+$0x130];
	v12 =	vadd.f32 v0, v2;
	v16 =	vadd.f32 v1, v3  }
0x6c: {  	v0 =	vld [tilespmem:s13+$0x140];
	v10 =	vadd.f32 v10, v8;
	v9 =	vadd.f32 v13, v9  }
0x6d: {  	v1 =	vld [tilespmem:s13+$0x150]  }
0x6e: {  	v8 =	vld [tilespmem:s13+$0x80]  }
0x6f: {  	v13 =	vld [tilespmem:s13+$0x90]  }
0x70: {  	v17 =	vld [tilespmem:s13+$0xA0]  }
0x71: {  	v19 =	vld [tilespmem:s13+$0xB0]  }
0x72: {  	v2 =	vld [tilespmem:s13+$0xC0]  }
0x73: {  	v3 =	vld [tilespmem:s13+$0xD0]  }
0x74: {  	v20 =	vld [tilespmem:s13+$0x0]  }
0x75: {  	v21 =	vld [tilespmem:s13+$0x10]  }
0x76: {  	v22 =	vld [tilespmem:s13+$0x20]  }
0x77: {  	v23 =	vld [tilespmem:s13+$0x30]  }
0x78: {  	v24 =	vld [tilespmem:s13+$0xFFFFFF80]  }
0x79: {  	v25 =	vld [tilespmem:s13+$0xFFFFFF90]  }
0x7a: {  	v26 =	vld [tilespmem:s13+$0xFFFFFF00]  }
0x7b: {  	v27 =	vld [tilespmem:s13+$0xFFFFFF10]  }
0x7c: {  	v28 =	vld [tilespmem:s13+$0xFFFFFF20]  }
0x7d: {  	v29 =	vld [tilespmem:s13+$0xFFFFFF30]  }
0x7e: {  	v30 =	vld [tilespmem:s13+$0xFFFFFFA0]  }
0x7f: {  	v31 =	vld [tilespmem:s13+$0xFFFFFFB0]  }
0x80: {  	v32 =	vld [tilespmem:s13+$0x40]  }
0x81: {  	v4 =	vadd.f32 v26, v4;
	v5 =	vadd.f32 v27, v5;
	v26 =	vld [tilespmem:s13+$0x50]  }
0x82: {  	v6 =	vadd.f32 v28, v6;
	v7 =	vadd.f32 v29, v7;
	v27 =	vld [tilespmem:s13+$0xFFFFFFC0]  }
0x83: {  	v4 =	vadd.f32 v24, v4;
	v5 =	vadd.f32 v25, v5;
	v24 =	vld [tilespmem:s13+$0xFFFFFFD0]  }
0x84: {  	v6 =	vadd.f32 v30, v6;
	v25 =	vld [tilespmem:s13+$0xFFFFFF40];
	v7 =	vadd.f32 v31, v7  }
0x85: {  	v4 =	vadd.f32 v20, v4;
	v5 =	vadd.f32 v21, v5;
	v28 =	vld [tilespmem:s13+$0xFFFFFF50]  }
0x86: {  	v6 =	vadd.f32 v22, v6;
	v20 =	vld [tilespmem:s13+$0xFFFFFF60];
	v7 =	vadd.f32 v23, v7  }
0x87: {  	s3 =	sadd.s32 $0x5, s3;
	v4 =	vadd.f32 v8, v4;
	v5 =	vadd.f32 v13, v5;
	v21 =	vld [tilespmem:s13+$0xFFFFFF70]  }
0x88: {  	p0 =	slt.u32 s3, $0xB;
	v6 =	vadd.f32 v17, v6;
	v13 =	vld [tilespmem:s13+$0xFFFFFFE0];
	v7 =	vadd.f32 v19, v7  }
0x89: {  	v4 =	vadd.f32 v18, v4;
	v5 =	vadd.f32 v14, v5;
	v17 =	vld [tilespmem:s13+$0xFFFFFFF0]  }
0x8a: {  	v6 =	vadd.f32 v15, v6;
	v8 =	vld [tilespmem:s13+$0x60];
	v7 =	vadd.f32 v11, v7  }
.Ltmp0:
0x8b: {  	v12 =	vadd.f32 v25, v12;
	v14 =	vadd.f32 v28, v16;
	v11 =	vld [tilespmem:s13+$0x70];
	(pc) =	sbr.rel @p0 .LBB2_4-.Ltmp0, $4  }
0x8c: {  	v10 =	vadd.f32 v20, v10;
	v15 =	vadd.f32 v21, v9;
	v9 =	vld [tilespmem:s13+$0xE0]  }
0x8d: {  	v16 =	vadd.f32 v27, v12;
	v18 =	vadd.f32 v24, v14;
	v12 =	vld [tilespmem:s13+$0xF0]  }
0x8e: {  	v14 =	vadd.f32 v13, v10;
	v15 =	vadd.f32 v17, v15;
	v10 =	vld [tilespmem:s13+$0x160]  }
0x8f: {  	v16 =	vadd.f32 v32, v16;
	v17 =	vadd.f32 v26, v18;
	v13 =	vld [tilespmem:s13+$0x170];
	s13 =	sadd.s32 $0x280, s13  }
0x90: {  	v18 =	vld [tilespmem:s26+$0xB00]  }
0x91: {  	v19 =	vld [tilespmem:s26+$0xB10]  }
0x92: {  	v20 =	vld [tilespmem:s26+$0xB20]  }
0x93: {  	v21 =	vld [tilespmem:s26+$0xB30]  }
0x94: {  	v22 =	vld [tilespmem:s26+$0xB40]  }
0x95: {  	v23 =	vld [tilespmem:s26+$0xB50]  }
0x96: {  	v24 =	vld [tilespmem:s26+$0xB60]  }
0x97: {  	v25 =	vld [tilespmem:s26+$0xB70]  }
0x98: {  	v26 =	vld [tilespmem:s26+$0xB80]  }
0x99: {  	v27 =	vld [tilespmem:s26+$0xB90]  }
0x9a: {  	v28 =	vld [tilespmem:s26+$0xBA0]  }
0x9b: {  	v29 =	vld [tilespmem:s26+$0xBB0]  }
0x9c: {  	v30 =	vld [tilespmem:s26+$0xBC0]  }
0x9d: {  	v31 =	vld [tilespmem:s26+$0xBD0]  }
0x9e: {  	v32 =	vld [tilespmem:s26+$0xBE0]  }
0x9f: {  	v33 =	vld [tilespmem:s26+$0xBF0]  }
0xa0: {  	v34 =	vld [tilespmem:s26+$0xC00]  }
0xa1: {  	v35 =	vld [tilespmem:s26+$0xC10]  }
0xa2: {  	v36 =	vld [tilespmem:s26+$0xC20]  }
0xa3: {  	v37 =	vld [tilespmem:s26+$0xC30]  }
0xa4: {  	v38 =	vld [tilespmem:s26+$0xC40]  }
0xa5: {  	v39 =	vld [tilespmem:s26+$0xC50]  }
0xa6: {  	v40 =	vld [tilespmem:s26+$0xC60]  }
0xa7: {  	v41 =	vld [tilespmem:s26+$0xC70]  }
0xa8: {  	v42 =	vld [tilespmem:s26+$0xC80]  }
0xa9: {  	v43 =	vld [tilespmem:s26+$0xC90]  }
0xaa: {  	v44 =	vld [tilespmem:s26+$0xCA0]  }
0xab: {  	v45 =	vld [tilespmem:s26+$0xCB0]  }
0xac: {  	v46 =	vld [tilespmem:s26+$0xCC0]  }
0xad: {  	v47 =	vld [tilespmem:s26+$0xCD0]  }
0xae: {  	v48 =	vld [tilespmem:s26+$0xCE0]  }
0xaf: {  	v49 =	vld [tilespmem:s26+$0xCF0]  }
0xb0: {  	v50 =	vld [tilespmem:s0+$0xFFFFFF40]  }
0xb1: {  	v51 =	vld [tilespmem:s0+$0xFFFFFF50]  }
0xb2: {  	v52 =	vld [tilespmem:s0+$0xFFFFFF60]  }
0xb3: {  	v53 =	vld [tilespmem:s0+$0xFFFFFF70]  }
0xb4: {  	v54 =	vld [tilespmem:s0+$0xFFFFFF80]  }
0xb5: {  	v55 =	vld [tilespmem:s0+$0xFFFFFF90]  }
0xb6: {  	v56 =	vld [tilespmem:s0+$0xFFFFFFA0]  }
0xb7: {  	v57 =	vld [tilespmem:s0+$0xFFFFFFB0];
	v8 =	vadd.f32 v8, v14;
	v11 =	vadd.f32 v11, v15  }
0xb8: {  	v14 =	vld [tilespmem:s0+$0xFFFFFFC0];
	v2 =	vadd.f32 v2, v16;
	v3 =	vadd.f32 v3, v17  }
0xb9: {  	v15 =	vld [tilespmem:s0+$0xFFFFFFD0];
	v8 =	vadd.f32 v9, v8;
	v9 =	vadd.f32 v12, v11  }
0xba: {  	v16 =	vld [tilespmem:s0+$0x40];
	v0 =	vadd.f32 v0, v2;
	v1 =	vadd.f32 v1, v3  }
0xbb: {  	s13 =	sadd.s32 $0x200, s0;
	v17 =	vld [tilespmem:s0+$0x50];
	v2 =	vadd.f32 v10, v8;
	v3 =	vadd.f32 v13, v9  }
0xbc: {  	v60 =	vld [tilespmem:s13+$0xFFFFFF60];
	v4 =	vadd.f32 v18, v4;
	v5 =	vadd.f32 v19, v5  }
0xbd: {  	v63 =	vld [tilespmem:s13+$0xFFFFFF70];
	v6 =	vadd.f32 v20, v6;
	v7 =	vadd.f32 v21, v7  }
0xbe: {  	v11 =	vld [tilespmem:s0+$0xFFFFFFE0];
	v0 =	vadd.f32 v22, v0;
	v1 =	vadd.f32 v23, v1  }
0xbf: {  	v12 =	vld [tilespmem:s0+$0xFFFFFFF0];
	v2 =	vadd.f32 v24, v2;
	v3 =	vadd.f32 v25, v3  }
0xc0: {  	v8 =	vld [tilespmem:s0+$0x0];
	v4 =	vadd.f32 v26, v4;
	v5 =	vadd.f32 v27, v5  }
0xc1: {  	v9 =	vld [tilespmem:s0+$0x10];
	v6 =	vadd.f32 v28, v6;
	v7 =	vadd.f32 v29, v7  }
0xc2: {  	v10 =	vld [tilespmem:s0+$0x20];
	v0 =	vadd.f32 v30, v0;
	v1 =	vadd.f32 v31, v1  }
0xc3: {  	v13 =	vld [tilespmem:s0+$0x30];
	v2 =	vadd.f32 v32, v2;
	v3 =	vadd.f32 v33, v3  }
0xc4: {  	v18 =	vld [tilespmem:s0+$0x60];
	v4 =	vadd.f32 v34, v4;
	v5 =	vadd.f32 v35, v5  }
0xc5: {  	v19 =	vld [tilespmem:s0+$0x70];
	v6 =	vadd.f32 v36, v6;
	v7 =	vadd.f32 v37, v7  }
0xc6: {  	v20 =	vld [tilespmem:s0+$0x80];
	v0 =	vadd.f32 v38, v0;
	v1 =	vadd.f32 v39, v1  }
0xc7: {  	s3 =	sadd.s32 $0x0, s4;
	v21 =	vld [tilespmem:s0+$0x90];
	v2 =	vadd.f32 v40, v2;
	v3 =	vadd.f32 v41, v3  }
0xc8: {  	s3 =	smin.u32 s3, $0x197;
	v22 =	vld [tilespmem:s0+$0xA0];
	v4 =	vadd.f32 v42, v4;
	v5 =	vadd.f32 v43, v5  }
0xc9: {  	s3 =	sshll.u32 s3, $0x7;
	v23 =	vld [tilespmem:s0+$0xB0];
	v6 =	vadd.f32 v44, v6;
	v7 =	vadd.f32 v45, v7  }
0xca: {  	v24 =	vld [tilespmem:s3+$0x5300];
	v27 =	vadd.f32 v46, v0;
	v28 =	vadd.f32 v47, v1  }
0xcb: {  	v25 =	vld [tilespmem:s3+$0x5310];
	v30 =	vadd.f32 v48, v2;
	v0 =	vmul.f32 $5.000000070e-02, v4;
	v1 =	vmul.f32 $5.000000070e-02, v5  }
0xcc: {  	v26 =	vld [tilespmem:s3+$0x5320];
	v49 =	vadd.f32 v49, v3;
	v2 =	vmul.f32 $5.000000070e-02, v6;
	v3 =	vmul.f32 $5.000000070e-02, v7  }
0xcd: {  	v29 =	vld [tilespmem:s3+$0x5330];
	v4 =	vmul.f32 $5.000000070e-02, v27;
	v5 =	vmul.f32 $5.000000070e-02, v28  }
0xce: {  	v31 =	vld [tilespmem:s3+$0x5340];
	v6 =	vmul.f32 $5.000000070e-02, v30;
	v7 =	vmul.f32 $5.000000070e-02, v49  }
0xcf: {  	v33 =	vld [tilespmem:s3+$0x5350];
	v30 =	vmul.f32 v50, v0;
	v51 =	vmul.f32 v51, v1  }
0xd0: {  	v34 =	vld [tilespmem:s13+$0xFFFFFF40];
	v52 =	vmul.f32 v52, v2;
	v53 =	vmul.f32 v53, v3  }
0xd1: {  	v37 =	vld [tilespmem:s13+$0xFFFFFF50];
	v58 =	vmul.f32 v54, v4;
	v59 =	vmul.f32 v55, v5  }
0xd2: {  	v48 =	vld [tilespmem:s13+$0xFFFFFF80];
	v14 =	vmul.f32 v14, v0;
	v15 =	vmul.f32 v15, v1  }
0xd3: {  	v27 =	vld [tilespmem:s3+$0x5360];
	v11 =	vmul.f32 v11, v2;
	v12 =	vmul.f32 v12, v3  }
0xd4: {  	v28 =	vld [tilespmem:s3+$0x5370];
	v8 =	vmul.f32 v8, v4;
	v9 =	vmul.f32 v9, v5  }
0xd5: {  	v49 =	vld [tilespmem:s13+$0xFFFFFF90];
	v16 =	vmul.f32 v16, v0;
	v17 =	vmul.f32 v17, v1  }
0xd6: {  	v50 =	vld [tilespmem:s13+$0xFFFFFFA0];
	v18 =	vmul.f32 v18, v2;
	v19 =	vmul.f32 v19, v3  }
0xd7: {  	v20 =	vmul.f32 v20, v4;
	v21 =	vmul.f32 v21, v5;
	v54 =	vld [tilespmem:s13+$0x70]  }
0xd8: {  	v55 =	vmul.f32 v37, v1;
	v62 =	vmul.f32 v57, v7;
	v57 =	vld [tilespmem:s13+$0x80]  }
0xd9: {  	v61 =	vmul.f32 v56, v6;
	v10 =	vmul.f32 v10, v6;
	v30 =	vadd.f32 v51, v30;
	v51 =	vld [tilespmem:s13+$0xFFFFFFB0]  }
0xda: {  	v13 =	vmul.f32 v13, v7;
	v35 =	vadd.f32 v53, v52;
	v14 =	vadd.f32 v15, v14;
	v15 =	vld [tilespmem:s13+$0xFFFFFFC0]  }
0xdb: {  	v56 =	vmul.f32 v60, v2;
	v38 =	vadd.f32 v59, v58;
	v11 =	vadd.f32 v12, v11;
	v12 =	vld [tilespmem:s13+$0xFFFFFFD0]  }
0xdc: {  	v8 =	vadd.f32 v9, v8;
	v52 =	vld [tilespmem:s13+$0xFFFFFFE0];
	v9 =	vmul.f32 v22, v6;
	v16 =	vadd.f32 v17, v16  }
0xdd: {  	v22 =	vld [tilespmem:s13+$0xFFFFFFF0];
	v17 =	vmul.f32 v24, v0;
	v18 =	vadd.f32 v19, v18;
	v19 =	vmul.f32 v26, v2  }
0xde: {  	v24 =	vld [tilespmem:s13+$0x0];
	v20 =	vadd.f32 v21, v20;
	v21 =	vmul.f32 v31, v4;
	v53 =	vmul.f32 v34, v0  }
0xdf: {  	v26 =	vld [tilespmem:s13+$0x10];
	v32 =	vmul.f32 v48, v4;
	v10 =	vadd.f32 v13, v10;
	v13 =	vmul.f32 v23, v7  }
0xe0: {  	s26 =	sadd.s32 $0x4, s4;
	v31 =	vld [tilespmem:s13+$0x20];
	v41 =	vadd.f32 v62, v61;
	v23 =	vmul.f32 v25, v1;
	v25 =	vmul.f32 v29, v3  }
0xe1: {  	s3 =	smin.u32 s26, $0x197;
	v58 =	vld [tilespmem:s13+$0x90];
	v29 =	vmul.f32 v33, v5;
	v14 =	vadd.f32 v11, v14;
	v16 =	vadd.f32 v18, v16  }
0xe2: {  	s14 =	sshll.u32 s3, $0x7;
	v59 =	vld [tilespmem:s13+$0xA0];
	v36 =	vmul.f32 v49, v5;
	v13 =	vadd.f32 v13, v9;
	v17 =	vadd.f32 v23, v17  }
0xe3: {  	v11 =	vld [tilespmem:s14+$0x5300];
	v9 =	vmul.f32 v27, v6;
	v19 =	vadd.f32 v25, v19;
	v21 =	vadd.f32 v29, v21  }
0xe4: {  	v18 =	vld [tilespmem:s14+$0x5330];
	v27 =	vmul.f32 v28, v7;
	v25 =	vadd.f32 v35, v30;
	v29 =	vadd.f32 v41, v38  }
0xe5: {  	v28 =	vld [tilespmem:s13+$0x30];
	v8 =	vadd.f32 v10, v8;
	v10 =	vmul.f32 v63, v3;
	v39 =	vmul.f32 v50, v6  }
0xe6: {  	v23 =	vld [tilespmem:s13+$0x40];
	v9 =	vadd.f32 v27, v9;
	v17 =	vadd.f32 v19, v17;
	v42 =	vmul.f32 v51, v7  }
0xe7: {  	v30 =	vld [tilespmem:s13+$0x60];
	v61 =	vmul.f32 v15, v0;
	v29 =	vadd.f32 v29, v25;
	v62 =	vmul.f32 v12, v1  }
0xe8: {  	v27 =	vld [tilespmem:s13+$0x50];
	v44 =	vmul.f32 v52, v2;
	v12 =	vadd.f32 v13, v20;
	v63 =	vmul.f32 v22, v3  }
0xe9: {  	v19 =	vmul.f32 v24, v4;
	v15 =	vld [tilespmem:s14+$0x5310];
	v13 =	vadd.f32 v8, v14;
	v9 =	vadd.f32 v9, v21  }
0xea: {  	v22 =	vmul.f32 v31, v6;
	v8 =	vadd.f32 v55, v53;
	v20 =	vld [tilespmem:s14+$0x5340];
	v10 =	vadd.f32 v10, v56  }
0xeb: {  	v31 =	vmul.f32 v58, v5;
	v33 =	vmul.f32 v59, v6;
	v60 =	vadd.f32 v9, v17;
	v9 =	vld [tilespmem:s13+$0xB0]  }
0xec: {  	v21 =	vmul.f32 v26, v5;
	v16 =	vadd.f32 v12, v16;
	[tilespmem:s9+$0xFFFFFFE0] =	vst v29;
	v29 =	vmul.f32 v54, v3;
	v26 =	vld [tilespmem:s14+$0x5350]  }
0xed: {  	[tilespmem:s9+$0xFFFFFFF0] =	vst v13;
	v12 =	vadd.f32 v36, v32;
	v14 =	vadd.f32 v42, v39;
	v25 =	vmul.f32 v28, v7;
	v17 =	vld [tilespmem:s14+$0x5320]  }
0xee: {  	v13 =	vadd.f32 v62, v61;
	v32 =	vld [tilespmem:s14+$0x5370];
	v23 =	vmul.f32 v23, v0;
	v24 =	vmul.f32 v30, v2;
	[tilespmem:s9+$0x0] =	vst v16  }
0xef: {  	s26 =	smov.u32 s9;
	s3 =	simm.s32 $0x4;
	v28 =	vmul.f32 v57, v4;
	v30 =	vld [tilespmem:s14+$0x5360];
	v16 =	vadd.f32 v63, v44;
	s13 =	sadd.s32 $0x200, s13;
	v27 =	vmul.f32 v27, v1;
	[tilespmem:s9+$0x10] =	vst v60  }
.LBB2_6:
0xf0: {  	v34 =	vld [tilespmem:s13+$0xFFFFFF40];
	v19 =	vadd.f32 v21, v19;
	v21 =	vadd.f32 v25, v22;
	v9 =	vmul.f32 v9, v7  }
0xf1: {  	v23 =	vadd.f32 v27, v23;
	v11 =	vmul.f32 v11, v0;
	v15 =	vmul.f32 v15, v1;
	v22 =	vld [tilespmem:s13+$0xFFFFFF50]  }
0xf2: {  	v24 =	vadd.f32 v29, v24;
	v17 =	vmul.f32 v17, v2;
	v18 =	vmul.f32 v18, v3;
	v25 =	vld [tilespmem:s13+$0xFFFFFF60]  }
0xf3: {  	v28 =	vadd.f32 v31, v28;
	v20 =	vmul.f32 v20, v4;
	v26 =	vmul.f32 v26, v5;
	v27 =	vld [tilespmem:s13+$0xFFFFFF70]  }
0xf4: {  	v9 =	vadd.f32 v9, v33;
	v30 =	vmul.f32 v30, v6;
	v29 =	vld [tilespmem:s13+$0xFFFFFF80];
	v31 =	vmul.f32 v32, v7  }
0xf5: {  	v11 =	vadd.f32 v15, v11;
	v15 =	vadd.f32 v18, v17;
	v32 =	vld [tilespmem:s13+$0xFFFFFF90]  }
0xf6: {  	v18 =	vadd.f32 v26, v20;
	v17 =	vld [tilespmem:s13+$0xFFFFFFA0];
	v20 =	vadd.f32 v31, v30  }
0xf7: {  	v8 =	vadd.f32 v10, v8;
	v10 =	vadd.f32 v14, v12;
	v26 =	vld [tilespmem:s13+$0xFFFFFFB0]  }
0xf8: {  	v11 =	vadd.f32 v15, v11;
	v12 =	vld [tilespmem:s13+$0xFFFFFFC0];
	v14 =	vadd.f32 v20, v18  }
0xf9: {  	v13 =	vadd.f32 v16, v13;
	v16 =	vadd.f32 v21, v19;
	v15 =	vld [tilespmem:s13+$0xFFFFFFD0]  }
0xfa: {  	v19 =	vadd.f32 v24, v23;
	v18 =	vld [tilespmem:s13+$0xFFFFFFE0];
	v11 =	vadd.f32 v14, v11  }
0xfb: {  	s26 =	sadd.s32 $0x40, s26;
	v8 =	vadd.f32 v10, v8;
	v9 =	vadd.f32 v9, v28;
	v14 =	vld [tilespmem:s13+$0xFFFFFFF0]  }
0xfc: {  	v13 =	vadd.f32 v16, v13;
	v10 =	vld [tilespmem:s13+$0x0];
	[tilespmem:s26+$0x10] =	vst v11  }
0xfd: {  	v16 =	vld [tilespmem:s13+$0x10];
	[tilespmem:s26+$0xFFFFFFE0] =	vst v8;
	v8 =	vadd.f32 v9, v19  }
0xfe: {  	v20 =	vld [tilespmem:s13+$0x20];
	[tilespmem:s26+$0xFFFFFFF0] =	vst v13  }
0xff: {  	v13 =	vld [tilespmem:s13+$0x30];
	[tilespmem:s26+$0x0] =	vst v8  }
0x100: {  	v8 =	vld [tilespmem:s13+$0x40]  }
0x101: {  	v24 =	vld [tilespmem:s13+$0x50]  }
0x102: {  	v28 =	vld [tilespmem:s13+$0x60]  }
0x103: {  	v30 =	vmul.f32 v34, v0;
	v31 =	vmul.f32 v22, v1;
	v33 =	vld [tilespmem:s13+$0x70]  }
0x104: {  	s3 =	sadd.s32 $0x4, s3;
	v34 =	vmul.f32 v25, v2;
	v35 =	vmul.f32 v27, v3;
	v36 =	vld [tilespmem:s13+$0x80]  }
0x105: {  	s14 =	sadd.s32 s4, s3;
	p0 =	slt.u32 s3, $0x30;
	v37 =	vmul.f32 v29, v4;
	v32 =	vmul.f32 v32, v5;
	v38 =	vld [tilespmem:s13+$0x90]  }
0x106: {  	s14 =	smin.u32 s14, $0x197;
	v39 =	vmul.f32 v17, v6;
	v40 =	vmul.f32 v26, v7;
	v41 =	vld [tilespmem:s13+$0xA0]  }
0x107: {  	s14 =	sshll.u32 s14, $0x7;
	v42 =	vmul.f32 v12, v0;
	v43 =	vmul.f32 v15, v1;
	v9 =	vld [tilespmem:s13+$0xB0]  }
0x108: {  	v44 =	vmul.f32 v18, v2;
	v45 =	vmul.f32 v14, v3;
	v11 =	vld [tilespmem:s14+$0x5300]  }
0x109: {  	v19 =	vmul.f32 v10, v4;
	v21 =	vmul.f32 v16, v5;
	v15 =	vld [tilespmem:s14+$0x5310]  }
0x10a: {  	v22 =	vmul.f32 v20, v6;
	v25 =	vmul.f32 v13, v7;
	v17 =	vld [tilespmem:s14+$0x5320]  }
.Ltmp1:
0x10b: {  	v23 =	vmul.f32 v8, v0;
	v27 =	vmul.f32 v24, v1;
	v18 =	vld [tilespmem:s14+$0x5330];
	(pc) =	sbr.rel @p0 .LBB2_6-.Ltmp1, $4  }
0x10c: {  	v24 =	vmul.f32 v28, v2;
	v29 =	vmul.f32 v33, v3;
	v20 =	vld [tilespmem:s14+$0x5340]  }
0x10d: {  	v10 =	vadd.f32 v35, v34;
	v8 =	vadd.f32 v31, v30;
	v28 =	vmul.f32 v36, v4;
	v26 =	vld [tilespmem:s14+$0x5350]  }
0x10e: {  	v12 =	vadd.f32 v32, v37;
	v14 =	vadd.f32 v40, v39;
	v31 =	vmul.f32 v38, v5;
	v30 =	vld [tilespmem:s14+$0x5360]  }
0x10f: {  	v16 =	vadd.f32 v45, v44;
	v13 =	vadd.f32 v43, v42;
	s13 =	sadd.s32 $0x200, s13;
	v33 =	vmul.f32 v41, v6;
	v32 =	vld [tilespmem:s14+$0x5370]  }
0x110: {  	v19 =	vadd.f32 v21, v19;
	v47 =	vadd.f32 v25, v22;
	v9 =	vmul.f32 v9, v7  }
0x111: {  	v48 =	vadd.f32 v27, v23;
	v0 =	vmul.f32 v11, v0;
	v1 =	vmul.f32 v15, v1  }
0x112: {  	v49 =	vadd.f32 v29, v24;
	v2 =	vmul.f32 v17, v2;
	v50 =	vadd.f32 v31, v28  }
0x113: {  	v3 =	vmul.f32 v18, v3;
	v55 =	vadd.f32 v10, v8;
	v56 =	vadd.f32 v14, v12  }
0x114: {  	v4 =	vmul.f32 v20, v4;
	v58 =	vadd.f32 v16, v13;
	v9 =	vadd.f32 v9, v33  }
0x115: {  	v5 =	vmul.f32 v26, v5;
	v0 =	vadd.f32 v1, v0;
	v52 =	vadd.f32 v3, v2  }
0x116: {  	v59 =	vadd.f32 v47, v19;
	v6 =	vmul.f32 v30, v6;
	v51 =	vmul.f32 v32, v7  }
0x117: {  	v60 =	vadd.f32 v49, v48;
	v61 =	vadd.f32 v56, v55  }
0x118: {  	s30 =	sadd.s32 $0x1, s30;
	v53 =	vadd.f32 v5, v4;
	v54 =	vadd.f32 v51, v6  }
0x119: {  	p0 =	sne.s32 s30, $0x8;
	v0 =	vadd.f32 v52, v0;
	v62 =	vadd.f32 v9, v50  }
.Ltmp2:
0x11a: {  	s3 =	sadd.s32 $0x40, s26;
	v2 =	vadd.f32 v59, v58;
	v57 =	vadd.f32 v54, v53;
	(pc) =	sbr.rel @p0 .LBB2_3-.Ltmp2, $4  }
0x11b: {  	[tilespmem:s3+$0xFFFFFFE0] =	vst v61;
	v63 =	vadd.f32 v62, v60  }
0x11c: {  	[tilespmem:s3+$0xFFFFFFF0] =	vst v2;
	v0 =	vadd.f32 v57, v0  }
0x11d: {  	s31 =	sadd.s32 $0xA00, s31;
	[tilespmem:s3+$0x0] =	vst v63  }
0x11e: {  	s0 =	sadd.s32 $0x1980, s0;
	s4 =	sadd.s32 $0x33, s4;
	s9 =	sadd.s32 $0x340, s9;
	[tilespmem:s3+$0x10] =	vst v0  }
0x11f: {  	s0 =	smul.u32 $0x340, s29;
	s28 =	sadd.s32 $0x1, s28  }
0x120: {  	p0 =	sne.s32 s28, $0x40  }
.Ltmp3:
0x121: {  	s3 =	simm.s32 $0x0;
	s0 =	sadd.s32 s7, s0;
	(pc) =	sbr.rel @p0 .LBB2_2-.Ltmp3, $4  }
0x122: {  	[hbm4b:s0+s3] =	stream.linear.scatter [tilespmem:s25], [sflag:$0x2], $0x1A00, $0x38;
	[tilespmem:$0x13900] =	vst v63  }
0x123: {  	_ =	swait.ge [sflag:s10], $0x1A00  }
0x124: {  	[sflag:s10] =	ssyncset.done $0x0  }
0x125: {  	[sflag:s10] =	ssyncadd.s32 $0xFFFFE600  }
0x126: {  	s3 =	rddreg [dreg:$0x5]  }
0x127: {  	s0 =	rddreg [dreg:$0x4];
	s3 =	sadd.s32 $0x1, s3  }
0x128: {  	p0 =	sne.s32 s3, s0  }
.Ltmp4:
0x129: {  	_ = 	snop;
	(pc) =	sbr.rel @p0 .LBB2_1-.Ltmp4, $1  }
0x12a: {  	_ =	sdelay $0x3  }
0x12b: {  	_ =	sfence.sel $0x180000  }
0x12c: {  	[bflag:$0x0] =	sbarrier.arrive $0xFFFF  }
0x12d: {  	_ =	strace $0x90000047  }
0x12e: {  	s0 =	stileid.u32;
	[bflag:$0x2] =	sbarrier.arrive $0xFFFF  }
0x12f: {  	p0 =	sne.s32 s0, $0x0;
	s0 =	rddreg [dreg:$0x3]  }
0x130: {  	s0 =	sadd.s32 @!p0 $0x100000, s0  }
0x131: {  	[sflag:s0] =	ssyncadd.tile.s32 @!p0 $0x1;
	_ =	shalt  }
.Lfunc_end2:
_tile_overlayer_lowered:
.L_overlay_start_2:
0x132: {  	(tag) =	ssettag $0x2  }
0x133: {  	s0 =	rddreg [dreg:$0x0];
	s2 =	stileid.u32  }
0x134: {  	s1 =	rddreg [dreg:$0x1];
	p0 =	sne.s32 s2, $0x0  }
0x135: {  	s3 =	rddreg [dreg:$0x2];
	[bflag:$0x3] =	sbarrier.arrive $0xFFFF;
	s2 =	simm.s32 @!p0 $0x1C02  }
0x136: {  	[timem:s3], [sflag:s2] =	dma.local @!p0 [hbm:s0], s1  }
0x137: {  	s0 =	simm.s32 @!p0 $0x2  }
0x138: {  	_ =	swait.ge @!p0 [sflag:s0], s1  }
0x139: {  	s1 =	ssub.s32 @!p0 $0x0, s1;
	[sflag:s0] =	ssyncset.done @!p0 $0x0  }
0x13a: {  	[sflag:s0] =	ssyncadd.s32 @!p0 s1  }
0x13b: {  	[bflag:$0x3] =	sbarrier.arrive $0xFFFF  }
0x13c: {  	_ =	shalt  }

</sc_bundles>
